<compile_context>
chip_gen: v7x
topology: tpu7x:2x2x1
jax: 0.10.2.dev20260603
libtpu: 0.0.44.dev20260713+nightly
codegen_flags: <defaults>
</compile_context>

<pallas_src>
import functools

import jax
import jax.numpy as jnp
from jax import lax
from jax.experimental import pallas as pl
from jax.experimental.pallas import tpu as pltpu
from jax.experimental.pallas import tpu_sc as plsc

TOPK = 16
Q = 1024
D = 64
N = 100000
QT = 128
KC = 2048
NPAD = 100352
NKC = NPAD // KC
NQT = Q // QT
G = 128
NG = NPAD // G
GPC = KC // G
B = Q * TOPK
NW = 32
BPW = B // NW
IROWS = B // 128
RPW = IROWS // NW
QT3 = 256
NQT3 = Q // QT3
IMAX = 2**31 - 1


def _score_body(q_ref, kt_ref, s_ref, fid_ref, m_ref):
    qt = pl.program_id(0)
    kc = pl.program_id(1)
    q = q_ref[...]
    kt = kt_ref[...]
    qsq = jnp.sum(q * q, axis=1, keepdims=True)
    ksq = jnp.sum(kt * kt, axis=0, keepdims=True)
    dots = jnp.dot(q, kt, preferred_element_type=jnp.float32)
    s = -((qsq - 2.0 * dots) + ksq)
    s_ref[...] = s
    gm = jnp.concatenate(
        [jnp.max(s[:, g * G:(g + 1) * G], axis=1, keepdims=True)
         for g in range(GPC)], axis=1)
    m_ref[pl.ds(kc * GPC, GPC), :] = gm.T

    @pl.when(kc == NKC - 1)
    def _():
        mt = m_ref[...]
        rows = lax.broadcasted_iota(jnp.int32, (NG, QT), 0)
        sels = []
        for _ in range(TOPK):
            mx = jnp.max(mt, axis=0, keepdims=True)
            cand = jnp.where(mt == mx, rows, IMAX)
            sel = jnp.min(cand, axis=0, keepdims=True)
            sels.append(sel)
            mt = jnp.where(rows == sel, -jnp.inf, mt)
        gid = jnp.concatenate(sels, axis=0)
        qrow = qt * QT + lax.broadcasted_iota(jnp.int32, (TOPK, QT), 1)
        fid_ref[...] = qrow * NG + gid


def _final_body(c_ref, fid_ref, vals_ref, idx_ref):
    qt = pl.program_id(0)
    c = c_ref[...]
    fid = fid_ref[...]
    qrow = qt * QT3 + lax.broadcasted_iota(jnp.int32, (QT3, TOPK), 0)
    kbase = (fid - qrow * NG) * G
    lane = lax.broadcasted_iota(jnp.int32, (QT3, G), 1)
    idx2 = jnp.concatenate(
        [kbase[:, s:s + 1] + lane for s in range(TOPK)], axis=1)
    ext_s, ext_i = c, idx2
    new_v, new_i = [], []
    for _ in range(TOPK):
        m = jnp.max(ext_s, axis=1, keepdims=True)
        cand = jnp.where(ext_s == m, ext_i, IMAX)
        sel = jnp.min(cand, axis=1, keepdims=True)
        new_v.append(m)
        new_i.append(sel)
        ext_s = jnp.where(ext_i == sel, -jnp.inf, ext_s)
    vals_ref[...] = jnp.concatenate(new_v, axis=1)
    idx_ref[...] = jnp.concatenate(new_i, axis=1)


_GATHER_SC = []


def _get_gather_sc():
    if not _GATHER_SC:
        mesh = plsc.VectorSubcoreMesh(core_axis_name="c", subcore_axis_name="s")

        @functools.partial(
            pl.kernel,
            out_type=jax.ShapeDtypeStruct((B, G), jnp.float32),
            mesh=mesh,
            scratch_types=[
                pltpu.VMEM((RPW, 128), jnp.int32),
                pltpu.VMEM((BPW, G), jnp.float32),
                pltpu.SemaphoreType.DMA,
            ],
        )
        def _gather_sc(table_hbm, idx_hbm, out_hbm, idx_v, rows_v, sem):
            wid = lax.axis_index("s") * 2 + lax.axis_index("c")
            pltpu.sync_copy(idx_hbm.at[pl.ds(wid * RPW, RPW)], idx_v)
            copies = []
            for j in range(RPW):
                copies.append(pltpu.async_copy(
                    table_hbm.at[idx_v.at[j]],
                    rows_v.at[pl.ds(j * 128, 128)], sem))
            for cp in copies:
                cp.wait()
            pltpu.sync_copy(rows_v, out_hbm.at[pl.ds(wid * BPW, BPW)])

        _GATHER_SC.append(_gather_sc)
    return _GATHER_SC[0]


def kernel(queries, keys):
    pad = jnp.zeros((NPAD - N, D), jnp.float32).at[:, 0].set(30000.0)
    kt = jnp.concatenate([keys, pad], axis=0).T

    scores, fid_t = pl.pallas_call(
        _score_body,
        grid=(NQT, NKC),
        in_specs=[
            pl.BlockSpec((QT, D), lambda qt, kc: (qt, 0)),
            pl.BlockSpec((D, KC), lambda qt, kc: (0, kc)),
        ],
        out_specs=[
            pl.BlockSpec((QT, KC), lambda qt, kc: (qt, kc)),
            pl.BlockSpec((TOPK, QT), lambda qt, kc: (0, qt)),
        ],
        out_shape=[
            jax.ShapeDtypeStruct((Q, NPAD), jnp.float32),
            jax.ShapeDtypeStruct((TOPK, Q), jnp.int32),
        ],
        scratch_shapes=[pltpu.VMEM((NG, QT), jnp.float32)],
    )(queries, kt)

    fid = fid_t.T
    table = scores[:, :G]
    cand = _get_gather_sc()(table, (fid % Q).reshape(IROWS, 128))
    cand = cand.reshape(Q, TOPK * G)

    vals, idx = pl.pallas_call(
        _final_body,
        grid=(NQT3,),
        in_specs=[
            pl.BlockSpec((QT3, TOPK * G), lambda qt: (qt, 0)),
            pl.BlockSpec((QT3, TOPK), lambda qt: (qt, 0)),
        ],
        out_specs=[
            pl.BlockSpec((QT3, TOPK), lambda qt: (qt, 0)),
            pl.BlockSpec((QT3, TOPK), lambda qt: (qt, 0)),
        ],
        out_shape=[
            jax.ShapeDtypeStruct((Q, TOPK), jnp.float32),
            jax.ShapeDtypeStruct((Q, TOPK), jnp.int32),
        ],
    )(cand, fid)
    return vals, idx

# --- scband reference (transcript-rebuilt; emitter-appended) ---
"""Pipeline reference for scband-flatten-model-62706522521916 (READ-ONLY COPY).

The authoritative reference and input builder live on the scoring server;
editing this copy changes nothing except your own understanding.
"""

import jax, jax.numpy as jnp
import numpy as np

TOP_K = 16

def setup_inputs(seed: int = 0) -> dict:
    key = jax.random.key(seed)
    kq, kk = jax.random.split(key)
    queries = jax.random.normal(kq, (1024, 64), dtype=jnp.float32)
    keys = jax.random.normal(kk, (100000, 64), dtype=jnp.float32)
    return {"queries": queries, "keys": keys}

def reference(queries, keys):
    # Exact k-nearest-neighbor retrieval by squared L2 distance.
    # dist2[i, j] = ||q_i||^2 - 2 q_i . k_j + ||k_j||^2
    q_sq = jnp.sum(queries * queries, axis=1, keepdims=True)          # (Q, 1)
    k_sq = jnp.sum(keys * keys, axis=1)                               # (K,)
    dots = queries @ keys.T                                           # (Q, K)
    dist2 = q_sq - 2.0 * dots + k_sq[None, :]                         # (Q, K)
    neg_dist = -dist2
    topk_vals, topk_idx = jax.lax.top_k(neg_dist, TOP_K)              # (Q, k), (Q, k)
    # Return (negative squared distances of the k nearest keys, their indices)
    return topk_vals, topk_idx

if __name__ == "__main__":
    import jax
    _d = setup_inputs()
    print(jax.jit(kernel)(*tuple(_d.values())))

</pallas_src>

<mosaic_0001>
#map = affine_map<(d0, d1) -> (0, 0)>
module attributes {stable_mosaic.version = 14 : i64} {
  func.func @_gather_sc(%arg0: i32, %arg1: i32, %arg2: memref<1024x128xf32, #tpu.memory_space<hbm>>, %arg3: memref<128x128xi32, #tpu.memory_space<hbm>>, %arg4: memref<16384x128xf32, #tpu.memory_space<hbm>>, %arg5: memref<4x128xi32, #tpu.memory_space<vmem>>, %arg6: memref<512x128xf32, #tpu.memory_space<vmem>>, %arg7: memref<!tpu.dma_semaphore, #tpu.memory_space<semaphore_mem>>) attributes {dimension_semantics = [#tpu.dimension_semantics<core_parallel>, #tpu.dimension_semantics<subcore_parallel>], iteration_bounds = array<i64: 2, 16>, scalar_prefetch = 0 : i64, scratch_operands = 3 : i64, tpu.core_type = #tpu.core_type<sc_vector_subcore>, window_params = [{transform_indices = #map}, {transform_indices = #map}, {transform_indices = #map}]} {
    %mul3A = arith.constant 2 : i32
    %mul3A_0 = arith.muli %arg1, %mul3A : i32
    %add3A = arith.addi %mul3A_0, %arg0 : i32
    %mul3A_1 = arith.constant 4 : i32
    %mul3A_2 = arith.muli %add3A, %mul3A_1 : i32
    "tpu.region"() ({
      %run_scoped3A = tpu.sem_alloc : memref<!tpu.dma_semaphore, #tpu.memory_space<semaphore_mem>>
      %dma_start3A_83 = arith.constant 0 : i32
      %dma_start3A_84 = tpu.memref_slice %arg3[%mul3A_2, %dma_start3A_83] : memref<128x128xi32, #tpu.memory_space<hbm>> -> memref<4x128xi32, #tpu.memory_space<hbm>>
      %dma_start3A_85 = arith.constant 0 : i32
      %dma_start3A_86 = tpu.memref_slice %arg3[%mul3A_2, %dma_start3A_85] : memref<128x128xi32, #tpu.memory_space<hbm>> -> memref<4x128xi32, #tpu.memory_space<hbm>>
      tpu.enqueue_dma source(%dma_start3A_86 : memref<4x128xi32, #tpu.memory_space<hbm>>) target(%arg5 : memref<4x128xi32, #tpu.memory_space<vmem>>) target_semaphore(%run_scoped3A : memref<!tpu.dma_semaphore, #tpu.memory_space<semaphore_mem>>)
      %dma_wait3A_87 = arith.constant 0 : i32
      %dma_wait3A_88 = tpu.memref_slice %arg3[%mul3A_2, %dma_wait3A_87] : memref<128x128xi32, #tpu.memory_space<hbm>> -> memref<4x128xi32, #tpu.memory_space<hbm>>
      %dma_wait3A_89 = arith.constant 0 : i32
      %dma_wait3A_90 = tpu.memref_slice %arg3[%mul3A_2, %dma_wait3A_89] : memref<128x128xi32, #tpu.memory_space<hbm>> -> memref<4x128xi32, #tpu.memory_space<hbm>>
      tpu.wait_dma2 semaphore(%run_scoped3A : memref<!tpu.dma_semaphore, #tpu.memory_space<semaphore_mem>>) src(%dma_wait3A_90 : memref<4x128xi32, #tpu.memory_space<hbm>>) dst(%arg5 : memref<4x128xi32, #tpu.memory_space<vmem>>)
      tpu.yield
    }) : () -> ()
    %dma_start3A = arith.constant 0 : i32
    %dma_start3A_3 = arith.constant 0 : i32
    %dma_start3A_4 = arith.constant 0 : i32
    %dma_start3A_5 = tpu.memref_slice %arg6[%dma_start3A_3, %dma_start3A_4] : memref<512x128xf32, #tpu.memory_space<vmem>> -> memref<128x128xf32, #tpu.memory_space<vmem>>
    %dma_start3A_6 = arith.constant 0 : i32
    %dma_start3A_7 = tpu.memref_slice %arg5[%dma_start3A, %dma_start3A_6] : memref<4x128xi32, #tpu.memory_space<vmem>> -> memref<1x128xi32, #tpu.memory_space<vmem>>
    %dma_start3A_8 = tpu.memref_squeeze %dma_start3A_7 : memref<1x128xi32, #tpu.memory_space<vmem>> -> memref<128xi32, #tpu.memory_space<vmem>>
    %dma_start3A_9 = arith.constant 0 : i32
    %dma_start3A_10 = arith.constant 0 : i32
    %dma_start3A_11 = tpu.memref_slice %arg2[%dma_start3A_9, %dma_start3A_10] : memref<1024x128xf32, #tpu.memory_space<hbm>> -> memref<1024x128xf32, #tpu.memory_space<hbm>>
    tpu.enqueue_indirect_dma source(%dma_start3A_11 : memref<1024x128xf32, #tpu.memory_space<hbm>>) target(%dma_start3A_5 : memref<128x128xf32, #tpu.memory_space<vmem>>) offsets(%dma_start3A_8 : memref<128xi32, #tpu.memory_space<vmem>>) semaphore(%arg7 : memref<!tpu.dma_semaphore, #tpu.memory_space<semaphore_mem>>)
    %dma_start3A_12 = arith.constant 1 : i32
    %dma_start3A_13 = arith.constant 128 : i32
    %dma_start3A_14 = arith.constant 0 : i32
    %dma_start3A_15 = tpu.memref_slice %arg6[%dma_start3A_13, %dma_start3A_14] : memref<512x128xf32, #tpu.memory_space<vmem>> -> memref<128x128xf32, #tpu.memory_space<vmem>>
    %dma_start3A_16 = arith.constant 0 : i32
    %dma_start3A_17 = tpu.memref_slice %arg5[%dma_start3A_12, %dma_start3A_16] : memref<4x128xi32, #tpu.memory_space<vmem>> -> memref<1x128xi32, #tpu.memory_space<vmem>>
    %dma_start3A_18 = tpu.memref_squeeze %dma_start3A_17 : memref<1x128xi32, #tpu.memory_space<vmem>> -> memref<128xi32, #tpu.memory_space<vmem>>
    %dma_start3A_19 = arith.constant 0 : i32
    %dma_start3A_20 = arith.constant 0 : i32
    %dma_start3A_21 = tpu.memref_slice %arg2[%dma_start3A_19, %dma_start3A_20] : memref<1024x128xf32, #tpu.memory_space<hbm>> -> memref<1024x128xf32, #tpu.memory_space<hbm>>
    tpu.enqueue_indirect_dma source(%dma_start3A_21 : memref<1024x128xf32, #tpu.memory_space<hbm>>) target(%dma_start3A_15 : memref<128x128xf32, #tpu.memory_space<vmem>>) offsets(%dma_start3A_18 : memref<128xi32, #tpu.memory_space<vmem>>) semaphore(%arg7 : memref<!tpu.dma_semaphore, #tpu.memory_space<semaphore_mem>>)
    %dma_start3A_22 = arith.constant 2 : i32
    %dma_start3A_23 = arith.constant 256 : i32
    %dma_start3A_24 = arith.constant 0 : i32
    %dma_start3A_25 = tpu.memref_slice %arg6[%dma_start3A_23, %dma_start3A_24] : memref<512x128xf32, #tpu.memory_space<vmem>> -> memref<128x128xf32, #tpu.memory_space<vmem>>
    %dma_start3A_26 = arith.constant 0 : i32
    %dma_start3A_27 = tpu.memref_slice %arg5[%dma_start3A_22, %dma_start3A_26] : memref<4x128xi32, #tpu.memory_space<vmem>> -> memref<1x128xi32, #tpu.memory_space<vmem>>
    %dma_start3A_28 = tpu.memref_squeeze %dma_start3A_27 : memref<1x128xi32, #tpu.memory_space<vmem>> -> memref<128xi32, #tpu.memory_space<vmem>>
    %dma_start3A_29 = arith.constant 0 : i32
    %dma_start3A_30 = arith.constant 0 : i32
    %dma_start3A_31 = tpu.memref_slice %arg2[%dma_start3A_29, %dma_start3A_30] : memref<1024x128xf32, #tpu.memory_space<hbm>> -> memref<1024x128xf32, #tpu.memory_space<hbm>>
    tpu.enqueue_indirect_dma source(%dma_start3A_31 : memref<1024x128xf32, #tpu.memory_space<hbm>>) target(%dma_start3A_25 : memref<128x128xf32, #tpu.memory_space<vmem>>) offsets(%dma_start3A_28 : memref<128xi32, #tpu.memory_space<vmem>>) semaphore(%arg7 : memref<!tpu.dma_semaphore, #tpu.memory_space<semaphore_mem>>)
    %dma_start3A_32 = arith.constant 3 : i32
    %dma_start3A_33 = arith.constant 384 : i32
    %dma_start3A_34 = arith.constant 0 : i32
    %dma_start3A_35 = tpu.memref_slice %arg6[%dma_start3A_33, %dma_start3A_34] : memref<512x128xf32, #tpu.memory_space<vmem>> -> memref<128x128xf32, #tpu.memory_space<vmem>>
    %dma_start3A_36 = arith.constant 0 : i32
    %dma_start3A_37 = tpu.memref_slice %arg5[%dma_start3A_32, %dma_start3A_36] : memref<4x128xi32, #tpu.memory_space<vmem>> -> memref<1x128xi32, #tpu.memory_space<vmem>>
    %dma_start3A_38 = tpu.memref_squeeze %dma_start3A_37 : memref<1x128xi32, #tpu.memory_space<vmem>> -> memref<128xi32, #tpu.memory_space<vmem>>
    %dma_start3A_39 = arith.constant 0 : i32
    %dma_start3A_40 = arith.constant 0 : i32
    %dma_start3A_41 = tpu.memref_slice %arg2[%dma_start3A_39, %dma_start3A_40] : memref<1024x128xf32, #tpu.memory_space<hbm>> -> memref<1024x128xf32, #tpu.memory_space<hbm>>
    tpu.enqueue_indirect_dma source(%dma_start3A_41 : memref<1024x128xf32, #tpu.memory_space<hbm>>) target(%dma_start3A_35 : memref<128x128xf32, #tpu.memory_space<vmem>>) offsets(%dma_start3A_38 : memref<128xi32, #tpu.memory_space<vmem>>) semaphore(%arg7 : memref<!tpu.dma_semaphore, #tpu.memory_space<semaphore_mem>>)
    %dma_wait3A = arith.constant 0 : i32
    %dma_wait3A_42 = arith.constant 0 : i32
    %dma_wait3A_43 = arith.constant 0 : i32
    %dma_wait3A_44 = tpu.memref_slice %arg6[%dma_wait3A_42, %dma_wait3A_43] : memref<512x128xf32, #tpu.memory_space<vmem>> -> memref<128x128xf32, #tpu.memory_space<vmem>>
    %dma_wait3A_45 = arith.constant 0 : i32
    %dma_wait3A_46 = tpu.memref_slice %arg5[%dma_wait3A, %dma_wait3A_45] : memref<4x128xi32, #tpu.memory_space<vmem>> -> memref<1x128xi32, #tpu.memory_space<vmem>>
    %dma_wait3A_47 = tpu.memref_squeeze %dma_wait3A_46 : memref<1x128xi32, #tpu.memory_space<vmem>> -> memref<128xi32, #tpu.memory_space<vmem>>
    %dma_wait3A_48 = arith.constant 0 : i32
    %dma_wait3A_49 = arith.constant 0 : i32
    %dma_wait3A_50 = tpu.memref_slice %arg2[%dma_wait3A_48, %dma_wait3A_49] : memref<1024x128xf32, #tpu.memory_space<hbm>> -> memref<1024x128xf32, #tpu.memory_space<hbm>>
    tpu.wait_indirect_dma semaphore(%arg7 : memref<!tpu.dma_semaphore, #tpu.memory_space<semaphore_mem>>) src(%dma_wait3A_50 : memref<1024x128xf32, #tpu.memory_space<hbm>>) dst(%dma_wait3A_44 : memref<128x128xf32, #tpu.memory_space<vmem>>)
    %dma_wait3A_51 = arith.constant 1 : i32
    %dma_wait3A_52 = arith.constant 128 : i32
    %dma_wait3A_53 = arith.constant 0 : i32
    %dma_wait3A_54 = tpu.memref_slice %arg6[%dma_wait3A_52, %dma_wait3A_53] : memref<512x128xf32, #tpu.memory_space<vmem>> -> memref<128x128xf32, #tpu.memory_space<vmem>>
    %dma_wait3A_55 = arith.constant 0 : i32
    %dma_wait3A_56 = tpu.memref_slice %arg5[%dma_wait3A_51, %dma_wait3A_55] : memref<4x128xi32, #tpu.memory_space<vmem>> -> memref<1x128xi32, #tpu.memory_space<vmem>>
    %dma_wait3A_57 = tpu.memref_squeeze %dma_wait3A_56 : memref<1x128xi32, #tpu.memory_space<vmem>> -> memref<128xi32, #tpu.memory_space<vmem>>
    %dma_wait3A_58 = arith.constant 0 : i32
    %dma_wait3A_59 = arith.constant 0 : i32
    %dma_wait3A_60 = tpu.memref_slice %arg2[%dma_wait3A_58, %dma_wait3A_59] : memref<1024x128xf32, #tpu.memory_space<hbm>> -> memref<1024x128xf32, #tpu.memory_space<hbm>>
    tpu.wait_indirect_dma semaphore(%arg7 : memref<!tpu.dma_semaphore, #tpu.memory_space<semaphore_mem>>) src(%dma_wait3A_60 : memref<1024x128xf32, #tpu.memory_space<hbm>>) dst(%dma_wait3A_54 : memref<128x128xf32, #tpu.memory_space<vmem>>)
    %dma_wait3A_61 = arith.constant 2 : i32
    %dma_wait3A_62 = arith.constant 256 : i32
    %dma_wait3A_63 = arith.constant 0 : i32
    %dma_wait3A_64 = tpu.memref_slice %arg6[%dma_wait3A_62, %dma_wait3A_63] : memref<512x128xf32, #tpu.memory_space<vmem>> -> memref<128x128xf32, #tpu.memory_space<vmem>>
    %dma_wait3A_65 = arith.constant 0 : i32
    %dma_wait3A_66 = tpu.memref_slice %arg5[%dma_wait3A_61, %dma_wait3A_65] : memref<4x128xi32, #tpu.memory_space<vmem>> -> memref<1x128xi32, #tpu.memory_space<vmem>>
    %dma_wait3A_67 = tpu.memref_squeeze %dma_wait3A_66 : memref<1x128xi32, #tpu.memory_space<vmem>> -> memref<128xi32, #tpu.memory_space<vmem>>
    %dma_wait3A_68 = arith.constant 0 : i32
    %dma_wait3A_69 = arith.constant 0 : i32
    %dma_wait3A_70 = tpu.memref_slice %arg2[%dma_wait3A_68, %dma_wait3A_69] : memref<1024x128xf32, #tpu.memory_space<hbm>> -> memref<1024x128xf32, #tpu.memory_space<hbm>>
    tpu.wait_indirect_dma semaphore(%arg7 : memref<!tpu.dma_semaphore, #tpu.memory_space<semaphore_mem>>) src(%dma_wait3A_70 : memref<1024x128xf32, #tpu.memory_space<hbm>>) dst(%dma_wait3A_64 : memref<128x128xf32, #tpu.memory_space<vmem>>)
    %dma_wait3A_71 = arith.constant 3 : i32
    %dma_wait3A_72 = arith.constant 384 : i32
    %dma_wait3A_73 = arith.constant 0 : i32
    %dma_wait3A_74 = tpu.memref_slice %arg6[%dma_wait3A_72, %dma_wait3A_73] : memref<512x128xf32, #tpu.memory_space<vmem>> -> memref<128x128xf32, #tpu.memory_space<vmem>>
    %dma_wait3A_75 = arith.constant 0 : i32
    %dma_wait3A_76 = tpu.memref_slice %arg5[%dma_wait3A_71, %dma_wait3A_75] : memref<4x128xi32, #tpu.memory_space<vmem>> -> memref<1x128xi32, #tpu.memory_space<vmem>>
    %dma_wait3A_77 = tpu.memref_squeeze %dma_wait3A_76 : memref<1x128xi32, #tpu.memory_space<vmem>> -> memref<128xi32, #tpu.memory_space<vmem>>
    %dma_wait3A_78 = arith.constant 0 : i32
    %dma_wait3A_79 = arith.constant 0 : i32
    %dma_wait3A_80 = tpu.memref_slice %arg2[%dma_wait3A_78, %dma_wait3A_79] : memref<1024x128xf32, #tpu.memory_space<hbm>> -> memref<1024x128xf32, #tpu.memory_space<hbm>>
    tpu.wait_indirect_dma semaphore(%arg7 : memref<!tpu.dma_semaphore, #tpu.memory_space<semaphore_mem>>) src(%dma_wait3A_80 : memref<1024x128xf32, #tpu.memory_space<hbm>>) dst(%dma_wait3A_74 : memref<128x128xf32, #tpu.memory_space<vmem>>)
    %mul3A_81 = arith.constant 512 : i32
    %mul3A_82 = arith.muli %add3A, %mul3A_81 : i32
    "tpu.region"() ({
      %run_scoped3A = tpu.sem_alloc : memref<!tpu.dma_semaphore, #tpu.memory_space<semaphore_mem>>
      %dma_start3A_83 = arith.constant 0 : i32
      %dma_start3A_84 = tpu.memref_slice %arg4[%mul3A_82, %dma_start3A_83] : memref<16384x128xf32, #tpu.memory_space<hbm>> -> memref<512x128xf32, #tpu.memory_space<hbm>>
      %dma_start3A_85 = arith.constant 0 : i32
      %dma_start3A_86 = tpu.memref_slice %arg4[%mul3A_82, %dma_start3A_85] : memref<16384x128xf32, #tpu.memory_space<hbm>> -> memref<512x128xf32, #tpu.memory_space<hbm>>
      tpu.enqueue_dma source(%arg6 : memref<512x128xf32, #tpu.memory_space<vmem>>) target(%dma_start3A_86 : memref<512x128xf32, #tpu.memory_space<hbm>>) target_semaphore(%run_scoped3A : memref<!tpu.dma_semaphore, #tpu.memory_space<semaphore_mem>>)
      %dma_wait3A_87 = arith.constant 0 : i32
      %dma_wait3A_88 = tpu.memref_slice %arg4[%mul3A_82, %dma_wait3A_87] : memref<16384x128xf32, #tpu.memory_space<hbm>> -> memref<512x128xf32, #tpu.memory_space<hbm>>
      %dma_wait3A_89 = arith.constant 0 : i32
      %dma_wait3A_90 = tpu.memref_slice %arg4[%mul3A_82, %dma_wait3A_89] : memref<16384x128xf32, #tpu.memory_space<hbm>> -> memref<512x128xf32, #tpu.memory_space<hbm>>
      tpu.wait_dma2 semaphore(%run_scoped3A : memref<!tpu.dma_semaphore, #tpu.memory_space<semaphore_mem>>) src(%arg6 : memref<512x128xf32, #tpu.memory_space<vmem>>) dst(%dma_wait3A_90 : memref<512x128xf32, #tpu.memory_space<hbm>>)
      tpu.yield
    }) : () -> ()
    return
  }
}

module attributes {stable_mosaic.version = 14 : i64} {
  func.func @_score_body(%arg0: i32, %arg1: i32, %arg2: memref<128x64xf32, #tpu.memory_space<vmem>>, %arg3: memref<64x2048xf32, #tpu.memory_space<vmem>>, %arg4: memref<128x2048xf32, #tpu.memory_space<vmem>>, %arg5: memref<16x128xi32, #tpu.memory_space<vmem>>, %arg6: memref<784x128xf32, #tpu.memory_space<vmem>>) attributes {dimension_semantics = [#tpu.dimension_semantics<arbitrary>, #tpu.dimension_semantics<arbitrary>], iteration_bounds = array<i64: 8, 49>, scalar_prefetch = 0 : i64, scratch_operands = 1 : i64, tpu.core_type = #tpu.core_type<tc>, window_params = [{transform_indices = @transform_0, window_bounds = array<i64: 128, 64>}, {transform_indices = @transform_1, window_bounds = array<i64: 64, 2048>}, {transform_indices = @transform_2, window_bounds = array<i64: 128, 2048>}, {transform_indices = @transform_3, window_bounds = array<i64: 16, 128>}]} {
    %get3A = arith.constant 0 : index
    %get3A_0 = arith.constant 0 : index
    %get3A_1 = vector.load %arg2[%get3A, %get3A_0] : memref<128x64xf32, #tpu.memory_space<vmem>>, vector<128x64xf32>
    %get3A_2 = arith.constant 0 : index
    %get3A_3 = arith.constant 0 : index
    %get3A_4 = vector.load %arg3[%get3A_2, %get3A_3] : memref<64x2048xf32, #tpu.memory_space<vmem>>, vector<64x2048xf32>
    %mul3A = arith.mulf %get3A_1, %get3A_1 : vector<128x64xf32>
    %reduce_sum3A = arith.constant dense<0.000000e+00> : vector<128xf32>
    %reduce_sum3A_5 = vector.multi_reduction <add>, %mul3A, %reduce_sum3A [1] : vector<128x64xf32> to vector<128xf32>
    %broadcast_in_dim3A = vector.shape_cast %reduce_sum3A_5 : vector<128xf32> to vector<128x1xf32>
    %mul3A_6 = arith.mulf %get3A_4, %get3A_4 : vector<64x2048xf32>
    %reduce_sum3A_7 = arith.constant dense<0.000000e+00> : vector<2048xf32>
    %reduce_sum3A_8 = vector.multi_reduction <add>, %mul3A_6, %reduce_sum3A_7 [0] : vector<64x2048xf32> to vector<2048xf32>
    %broadcast_in_dim3A_9 = vector.shape_cast %reduce_sum3A_8 : vector<2048xf32> to vector<1x2048xf32>
    %dot_general3A = arith.constant dense<0.000000e+00> : vector<128x2048xf32>
    %dot_general3A_10 = tpu.matmul %get3A_1, %get3A_4, %dot_general3A {dimension_numbers = #tpu.dot_dimension_numbers<[1], [0], [0], [1], [0, 0, 1, 1], [], []>, transpose_lhs_hint = false} : vector<128x64xf32>, vector<64x2048xf32>, vector<128x2048xf32> -> vector<128x2048xf32>
    %mul3A_11 = arith.constant 2.000000e+00 : f32
    %mul3A_12 = vector.broadcast %mul3A_11 : f32 to vector<128x2048xf32>
    %mul3A_13 = arith.mulf %mul3A_12, %dot_general3A_10 : vector<128x2048xf32>
    %sub3A = vector.broadcast %broadcast_in_dim3A : vector<128x1xf32> to vector<128x2048xf32>
    %sub3A_14 = arith.subf %sub3A, %mul3A_13 : vector<128x2048xf32>
    %add3A = vector.broadcast %broadcast_in_dim3A_9 : vector<1x2048xf32> to vector<128x2048xf32>
    %add3A_15 = arith.addf %sub3A_14, %add3A : vector<128x2048xf32>
    %neg3A = arith.constant 0.000000e+00 : f32
    %neg3A_16 = vector.broadcast %neg3A : f32 to vector<128x2048xf32>
    %neg3A_17 = arith.subf %neg3A_16, %add3A_15 : vector<128x2048xf32>
    %swap3A = arith.constant 0 : index
    %swap3A_18 = arith.constant 0 : index
    %swap3A_19 = vector.load %arg4[%swap3A, %swap3A_18] : memref<128x2048xf32, #tpu.memory_space<vmem>>, vector<128x2048xf32>
    tpu.vector_store %arg4[%swap3A, %swap3A_18], %neg3A_17 {strides = array<i32>} : memref<128x2048xf32, #tpu.memory_space<vmem>>, vector<128x2048xf32>,
    %slice3A = vector.extract_strided_slice %neg3A_17 {offsets = [0, 0], sizes = [128, 128], strides = [1, 1]} : vector<128x2048xf32> to vector<128x128xf32>
    %reduce_max3A = arith.constant dense<0xFF800000> : vector<128xf32>
    %reduce_max3A_20 = vector.multi_reduction <maximumf>, %slice3A, %reduce_max3A [1] : vector<128x128xf32> to vector<128xf32>
    %broadcast_in_dim3A_21 = vector.shape_cast %reduce_max3A_20 : vector<128xf32> to vector<128x1xf32>
    %slice3A_22 = vector.extract_strided_slice %neg3A_17 {offsets = [0, 128], sizes = [128, 128], strides = [1, 1]} : vector<128x2048xf32> to vector<128x128xf32>
    %reduce_max3A_23 = arith.constant dense<0xFF800000> : vector<128xf32>
    %reduce_max3A_24 = vector.multi_reduction <maximumf>, %slice3A_22, %reduce_max3A_23 [1] : vector<128x128xf32> to vector<128xf32>
    %broadcast_in_dim3A_25 = vector.shape_cast %reduce_max3A_24 : vector<128xf32> to vector<128x1xf32>
    %slice3A_26 = vector.extract_strided_slice %neg3A_17 {offsets = [0, 256], sizes = [128, 128], strides = [1, 1]} : vector<128x2048xf32> to vector<128x128xf32>
    %reduce_max3A_27 = arith.constant dense<0xFF800000> : vector<128xf32>
    %reduce_max3A_28 = vector.multi_reduction <maximumf>, %slice3A_26, %reduce_max3A_27 [1] : vector<128x128xf32> to vector<128xf32>
    %broadcast_in_dim3A_29 = vector.shape_cast %reduce_max3A_28 : vector<128xf32> to vector<128x1xf32>
    %slice3A_30 = vector.extract_strided_slice %neg3A_17 {offsets = [0, 384], sizes = [128, 128], strides = [1, 1]} : vector<128x2048xf32> to vector<128x128xf32>
    %reduce_max3A_31 = arith.constant dense<0xFF800000> : vector<128xf32>
    %reduce_max3A_32 = vector.multi_reduction <maximumf>, %slice3A_30, %reduce_max3A_31 [1] : vector<128x128xf32> to vector<128xf32>
    %broadcast_in_dim3A_33 = vector.shape_cast %reduce_max3A_32 : vector<128xf32> to vector<128x1xf32>
    %slice3A_34 = vector.extract_strided_slice %neg3A_17 {offsets = [0, 512], sizes = [128, 128], strides = [1, 1]} : vector<128x2048xf32> to vector<128x128xf32>
    %reduce_max3A_35 = arith.constant dense<0xFF800000> : vector<128xf32>
    %reduce_max3A_36 = vector.multi_reduction <maximumf>, %slice3A_34, %reduce_max3A_35 [1] : vector<128x128xf32> to vector<128xf32>
    %broadcast_in_dim3A_37 = vector.shape_cast %reduce_max3A_36 : vector<128xf32> to vector<128x1xf32>
    %slice3A_38 = vector.extract_strided_slice %neg3A_17 {offsets = [0, 640], sizes = [128, 128], strides = [1, 1]} : vector<128x2048xf32> to vector<128x128xf32>
    %reduce_max3A_39 = arith.constant dense<0xFF800000> : vector<128xf32>
    %reduce_max3A_40 = vector.multi_reduction <maximumf>, %slice3A_38, %reduce_max3A_39 [1] : vector<128x128xf32> to vector<128xf32>
    %broadcast_in_dim3A_41 = vector.shape_cast %reduce_max3A_40 : vector<128xf32> to vector<128x1xf32>
    %slice3A_42 = vector.extract_strided_slice %neg3A_17 {offsets = [0, 768], sizes = [128, 128], strides = [1, 1]} : vector<128x2048xf32> to vector<128x128xf32>
    %reduce_max3A_43 = arith.constant dense<0xFF800000> : vector<128xf32>
    %reduce_max3A_44 = vector.multi_reduction <maximumf>, %slice3A_42, %reduce_max3A_43 [1] : vector<128x128xf32> to vector<128xf32>
    %broadcast_in_dim3A_45 = vector.shape_cast %reduce_max3A_44 : vector<128xf32> to vector<128x1xf32>
    %slice3A_46 = vector.extract_strided_slice %neg3A_17 {offsets = [0, 896], sizes = [128, 128], strides = [1, 1]} : vector<128x2048xf32> to vector<128x128xf32>
    %reduce_max3A_47 = arith.constant dense<0xFF800000> : vector<128xf32>
    %reduce_max3A_48 = vector.multi_reduction <maximumf>, %slice3A_46, %reduce_max3A_47 [1] : vector<128x128xf32> to vector<128xf32>
    %broadcast_in_dim3A_49 = vector.shape_cast %reduce_max3A_48 : vector<128xf32> to vector<128x1xf32>
    %slice3A_50 = vector.extract_strided_slice %neg3A_17 {offsets = [0, 1024], sizes = [128, 128], strides = [1, 1]} : vector<128x2048xf32> to vector<128x128xf32>
    %reduce_max3A_51 = arith.constant dense<0xFF800000> : vector<128xf32>
    %reduce_max3A_52 = vector.multi_reduction <maximumf>, %slice3A_50, %reduce_max3A_51 [1] : vector<128x128xf32> to vector<128xf32>
    %broadcast_in_dim3A_53 = vector.shape_cast %reduce_max3A_52 : vector<128xf32> to vector<128x1xf32>
    %slice3A_54 = vector.extract_strided_slice %neg3A_17 {offsets = [0, 1152], sizes = [128, 128], strides = [1, 1]} : vector<128x2048xf32> to vector<128x128xf32>
    %reduce_max3A_55 = arith.constant dense<0xFF800000> : vector<128xf32>
    %reduce_max3A_56 = vector.multi_reduction <maximumf>, %slice3A_54, %reduce_max3A_55 [1] : vector<128x128xf32> to vector<128xf32>
    %broadcast_in_dim3A_57 = vector.shape_cast %reduce_max3A_56 : vector<128xf32> to vector<128x1xf32>
    %slice3A_58 = vector.extract_strided_slice %neg3A_17 {offsets = [0, 1280], sizes = [128, 128], strides = [1, 1]} : vector<128x2048xf32> to vector<128x128xf32>
    %reduce_max3A_59 = arith.constant dense<0xFF800000> : vector<128xf32>
    %reduce_max3A_60 = vector.multi_reduction <maximumf>, %slice3A_58, %reduce_max3A_59 [1] : vector<128x128xf32> to vector<128xf32>
    %broadcast_in_dim3A_61 = vector.shape_cast %reduce_max3A_60 : vector<128xf32> to vector<128x1xf32>
    %slice3A_62 = vector.extract_strided_slice %neg3A_17 {offsets = [0, 1408], sizes = [128, 128], strides = [1, 1]} : vector<128x2048xf32> to vector<128x128xf32>
    %reduce_max3A_63 = arith.constant dense<0xFF800000> : vector<128xf32>
    %reduce_max3A_64 = vector.multi_reduction <maximumf>, %slice3A_62, %reduce_max3A_63 [1] : vector<128x128xf32> to vector<128xf32>
    %broadcast_in_dim3A_65 = vector.shape_cast %reduce_max3A_64 : vector<128xf32> to vector<128x1xf32>
    %slice3A_66 = vector.extract_strided_slice %neg3A_17 {offsets = [0, 1536], sizes = [128, 128], strides = [1, 1]} : vector<128x2048xf32> to vector<128x128xf32>
    %reduce_max3A_67 = arith.constant dense<0xFF800000> : vector<128xf32>
    %reduce_max3A_68 = vector.multi_reduction <maximumf>, %slice3A_66, %reduce_max3A_67 [1] : vector<128x128xf32> to vector<128xf32>
    %broadcast_in_dim3A_69 = vector.shape_cast %reduce_max3A_68 : vector<128xf32> to vector<128x1xf32>
    %slice3A_70 = vector.extract_strided_slice %neg3A_17 {offsets = [0, 1664], sizes = [128, 128], strides = [1, 1]} : vector<128x2048xf32> to vector<128x128xf32>
    %reduce_max3A_71 = arith.constant dense<0xFF800000> : vector<128xf32>
    %reduce_max3A_72 = vector.multi_reduction <maximumf>, %slice3A_70, %reduce_max3A_71 [1] : vector<128x128xf32> to vector<128xf32>
    %broadcast_in_dim3A_73 = vector.shape_cast %reduce_max3A_72 : vector<128xf32> to vector<128x1xf32>
    %slice3A_74 = vector.extract_strided_slice %neg3A_17 {offsets = [0, 1792], sizes = [128, 128], strides = [1, 1]} : vector<128x2048xf32> to vector<128x128xf32>
    %reduce_max3A_75 = arith.constant dense<0xFF800000> : vector<128xf32>
    %reduce_max3A_76 = vector.multi_reduction <maximumf>, %slice3A_74, %reduce_max3A_75 [1] : vector<128x128xf32> to vector<128xf32>
    %broadcast_in_dim3A_77 = vector.shape_cast %reduce_max3A_76 : vector<128xf32> to vector<128x1xf32>
    %slice3A_78 = vector.extract_strided_slice %neg3A_17 {offsets = [0, 1920], sizes = [128, 128], strides = [1, 1]} : vector<128x2048xf32> to vector<128x128xf32>
    %reduce_max3A_79 = arith.constant dense<0xFF800000> : vector<128xf32>
    %reduce_max3A_80 = vector.multi_reduction <maximumf>, %slice3A_78, %reduce_max3A_79 [1] : vector<128x128xf32> to vector<128xf32>
    %broadcast_in_dim3A_81 = vector.shape_cast %reduce_max3A_80 : vector<128xf32> to vector<128x1xf32>
    %concatenate3A = tpu.concatenate %broadcast_in_dim3A_21, %broadcast_in_dim3A_25, %broadcast_in_dim3A_29, %broadcast_in_dim3A_33, %broadcast_in_dim3A_37, %broadcast_in_dim3A_41, %broadcast_in_dim3A_45, %broadcast_in_dim3A_49, %broadcast_in_dim3A_53, %broadcast_in_dim3A_57, %broadcast_in_dim3A_61, %broadcast_in_dim3A_65, %broadcast_in_dim3A_69, %broadcast_in_dim3A_73, %broadcast_in_dim3A_77, %broadcast_in_dim3A_81 in 1 : vector<128x1xf32>, vector<128x1xf32>, vector<128x1xf32>, vector<128x1xf32>, vector<128x1xf32>, vector<128x1xf32>, vector<128x1xf32>, vector<128x1xf32>, vector<128x1xf32>, vector<128x1xf32>, vector<128x1xf32>, vector<128x1xf32>, vector<128x1xf32>, vector<128x1xf32>, vector<128x1xf32>, vector<128x1xf32> -> vector<128x16xf32>
    %transpose3A = tpu.transpose %concatenate3A, [1, 0] : vector<128x16xf32> -> vector<16x128xf32>
    %mul3A_82 = arith.constant 16 : i32
    %mul3A_83 = arith.muli %arg1, %mul3A_82 : i32
    %swap3A_84 = arith.index_cast %mul3A_83 : i32 to index
    %swap3A_85 = arith.constant 0 : index
    %swap3A_86 = vector.load %arg6[%swap3A_84, %swap3A_85] : memref<784x128xf32, #tpu.memory_space<vmem>>, vector<16x128xf32>
    tpu.vector_store %arg6[%swap3A_84, %swap3A_85], %transpose3A {strides = array<i32>} : memref<784x128xf32, #tpu.memory_space<vmem>>, vector<16x128xf32>,
    %eq3A = arith.constant 48 : i32
    %eq3A_87 = arith.cmpi eq, %arg1, %eq3A : i32
    %convert_element_type3A = arith.extui %eq3A_87 : i1 to i32
    %cond3A = arith.constant 0 : i32
    %cond3A_88 = arith.cmpi ne, %convert_element_type3A, %cond3A : i32
    scf.if %cond3A_88 {
      %get3A_89 = arith.constant 0 : index
      %get3A_90 = arith.constant 0 : index
      %get3A_91 = vector.load %arg6[%get3A_89, %get3A_90] : memref<784x128xf32, #tpu.memory_space<vmem>>, vector<784x128xf32>
      %iota3A = tpu.iota {dimensions = array<i32: 0>} : vector<784x128xi32>
      %reduce_max3A_92 = arith.constant dense<0xFF800000> : vector<128xf32>
      %reduce_max3A_93 = vector.multi_reduction <maximumf>, %get3A_91, %reduce_max3A_92 [0] : vector<784x128xf32> to vector<128xf32>
      %broadcast_in_dim3A_94 = vector.shape_cast %reduce_max3A_93 : vector<128xf32> to vector<1x128xf32>
      %eq3A_95 = vector.broadcast %broadcast_in_dim3A_94 : vector<1x128xf32> to vector<784x128xf32>
      %eq3A_96 = arith.cmpf oeq, %get3A_91, %eq3A_95 : vector<784x128xf32>
      %jit3A = arith.constant 2147483647 : i32
      %broadcast_in_dim3A_97 = vector.broadcast %jit3A : i32 to vector<784x128xi32>
      %select_n3A = arith.select %eq3A_96, %iota3A, %broadcast_in_dim3A_97 : vector<784x128xi1>, vector<784x128xi32>
      %reduce_min3A = arith.constant dense<2147483647> : vector<128xi32>
      %reduce_min3A_98 = vector.multi_reduction <minsi>, %select_n3A, %reduce_min3A [0] : vector<784x128xi32> to vector<128xi32>
      %broadcast_in_dim3A_99 = vector.shape_cast %reduce_min3A_98 : vector<128xi32> to vector<1x128xi32>
      %eq3A_100 = vector.broadcast %broadcast_in_dim3A_99 : vector<1x128xi32> to vector<784x128xi32>
      %eq3A_101 = arith.cmpi eq, %iota3A, %eq3A_100 : vector<784x128xi32>
      %jit3A_102 = arith.constant 0xFF800000 : f32
      %broadcast_in_dim3A_103 = vector.broadcast %jit3A_102 : f32 to vector<784x128xf32>
      %select_n3A_104 = arith.select %eq3A_101, %broadcast_in_dim3A_103, %get3A_91 : vector<784x128xi1>, vector<784x128xf32>
      %reduce_max3A_105 = arith.constant dense<0xFF800000> : vector<128xf32>
      %reduce_max3A_106 = vector.multi_reduction <maximumf>, %select_n3A_104, %reduce_max3A_105 [0] : vector<784x128xf32> to vector<128xf32>
      %broadcast_in_dim3A_107 = vector.shape_cast %reduce_max3A_106 : vector<128xf32> to vector<1x128xf32>
      %eq3A_108 = vector.broadcast %broadcast_in_dim3A_107 : vector<1x128xf32> to vector<784x128xf32>
      %eq3A_109 = arith.cmpf oeq, %select_n3A_104, %eq3A_108 : vector<784x128xf32>
      %jit3A_110 = arith.constant 2147483647 : i32
      %broadcast_in_dim3A_111 = vector.broadcast %jit3A_110 : i32 to vector<784x128xi32>
      %select_n3A_112 = arith.select %eq3A_109, %iota3A, %broadcast_in_dim3A_111 : vector<784x128xi1>, vector<784x128xi32>
      %reduce_min3A_113 = arith.constant dense<2147483647> : vector<128xi32>
      %reduce_min3A_114 = vector.multi_reduction <minsi>, %select_n3A_112, %reduce_min3A_113 [0] : vector<784x128xi32> to vector<128xi32>
      %broadcast_in_dim3A_115 = vector.shape_cast %reduce_min3A_114 : vector<128xi32> to vector<1x128xi32>
      %eq3A_116 = vector.broadcast %broadcast_in_dim3A_115 : vector<1x128xi32> to vector<784x128xi32>
      %eq3A_117 = arith.cmpi eq, %iota3A, %eq3A_116 : vector<784x128xi32>
      %jit3A_118 = arith.constant 0xFF800000 : f32
      %broadcast_in_dim3A_119 = vector.broadcast %jit3A_118 : f32 to vector<784x128xf32>
      %select_n3A_120 = arith.select %eq3A_117, %broadcast_in_dim3A_119, %select_n3A_104 : vector<784x128xi1>, vector<784x128xf32>
      %reduce_max3A_121 = arith.constant dense<0xFF800000> : vector<128xf32>
      %reduce_max3A_122 = vector.multi_reduction <maximumf>, %select_n3A_120, %reduce_max3A_121 [0] : vector<784x128xf32> to vector<128xf32>
      %broadcast_in_dim3A_123 = vector.shape_cast %reduce_max3A_122 : vector<128xf32> to vector<1x128xf32>
      %eq3A_124 = vector.broadcast %broadcast_in_dim3A_123 : vector<1x128xf32> to vector<784x128xf32>
      %eq3A_125 = arith.cmpf oeq, %select_n3A_120, %eq3A_124 : vector<784x128xf32>
      %jit3A_126 = arith.constant 2147483647 : i32
      %broadcast_in_dim3A_127 = vector.broadcast %jit3A_126 : i32 to vector<784x128xi32>
      %select_n3A_128 = arith.select %eq3A_125, %iota3A, %broadcast_in_dim3A_127 : vector<784x128xi1>, vector<784x128xi32>
      %reduce_min3A_129 = arith.constant dense<2147483647> : vector<128xi32>
      %reduce_min3A_130 = vector.multi_reduction <minsi>, %select_n3A_128, %reduce_min3A_129 [0] : vector<784x128xi32> to vector<128xi32>
      %broadcast_in_dim3A_131 = vector.shape_cast %reduce_min3A_130 : vector<128xi32> to vector<1x128xi32>
      %eq3A_132 = vector.broadcast %broadcast_in_dim3A_131 : vector<1x128xi32> to vector<784x128xi32>
      %eq3A_133 = arith.cmpi eq, %iota3A, %eq3A_132 : vector<784x128xi32>
      %jit3A_134 = arith.constant 0xFF800000 : f32
      %broadcast_in_dim3A_135 = vector.broadcast %jit3A_134 : f32 to vector<784x128xf32>
      %select_n3A_136 = arith.select %eq3A_133, %broadcast_in_dim3A_135, %select_n3A_120 : vector<784x128xi1>, vector<784x128xf32>
      %reduce_max3A_137 = arith.constant dense<0xFF800000> : vector<128xf32>
      %reduce_max3A_138 = vector.multi_reduction <maximumf>, %select_n3A_136, %reduce_max3A_137 [0] : vector<784x128xf32> to vector<128xf32>
      %broadcast_in_dim3A_139 = vector.shape_cast %reduce_max3A_138 : vector<128xf32> to vector<1x128xf32>
      %eq3A_140 = vector.broadcast %broadcast_in_dim3A_139 : vector<1x128xf32> to vector<784x128xf32>
      %eq3A_141 = arith.cmpf oeq, %select_n3A_136, %eq3A_140 : vector<784x128xf32>
      %jit3A_142 = arith.constant 2147483647 : i32
      %broadcast_in_dim3A_143 = vector.broadcast %jit3A_142 : i32 to vector<784x128xi32>
      %select_n3A_144 = arith.select %eq3A_141, %iota3A, %broadcast_in_dim3A_143 : vector<784x128xi1>, vector<784x128xi32>
      %reduce_min3A_145 = arith.constant dense<2147483647> : vector<128xi32>
      %reduce_min3A_146 = vector.multi_reduction <minsi>, %select_n3A_144, %reduce_min3A_145 [0] : vector<784x128xi32> to vector<128xi32>
      %broadcast_in_dim3A_147 = vector.shape_cast %reduce_min3A_146 : vector<128xi32> to vector<1x128xi32>
      %eq3A_148 = vector.broadcast %broadcast_in_dim3A_147 : vector<1x128xi32> to vector<784x128xi32>
      %eq3A_149 = arith.cmpi eq, %iota3A, %eq3A_148 : vector<784x128xi32>
      %jit3A_150 = arith.constant 0xFF800000 : f32
      %broadcast_in_dim3A_151 = vector.broadcast %jit3A_150 : f32 to vector<784x128xf32>
      %select_n3A_152 = arith.select %eq3A_149, %broadcast_in_dim3A_151, %select_n3A_136 : vector<784x128xi1>, vector<784x128xf32>
      %reduce_max3A_153 = arith.constant dense<0xFF800000> : vector<128xf32>
      %reduce_max3A_154 = vector.multi_reduction <maximumf>, %select_n3A_152, %reduce_max3A_153 [0] : vector<784x128xf32> to vector<128xf32>
      %broadcast_in_dim3A_155 = vector.shape_cast %reduce_max3A_154 : vector<128xf32> to vector<1x128xf32>
      %eq3A_156 = vector.broadcast %broadcast_in_dim3A_155 : vector<1x128xf32> to vector<784x128xf32>
      %eq3A_157 = arith.cmpf oeq, %select_n3A_152, %eq3A_156 : vector<784x128xf32>
      %jit3A_158 = arith.constant 2147483647 : i32
      %broadcast_in_dim3A_159 = vector.broadcast %jit3A_158 : i32 to vector<784x128xi32>
      %select_n3A_160 = arith.select %eq3A_157, %iota3A, %broadcast_in_dim3A_159 : vector<784x128xi1>, vector<784x128xi32>
      %reduce_min3A_161 = arith.constant dense<2147483647> : vector<128xi32>
      %reduce_min3A_162 = vector.multi_reduction <minsi>, %select_n3A_160, %reduce_min3A_161 [0] : vector<784x128xi32> to vector<128xi32>
      %broadcast_in_dim3A_163 = vector.shape_cast %reduce_min3A_162 : vector<128xi32> to vector<1x128xi32>
      %eq3A_164 = vector.broadcast %broadcast_in_dim3A_163 : vector<1x128xi32> to vector<784x128xi32>
      %eq3A_165 = arith.cmpi eq, %iota3A, %eq3A_164 : vector<784x128xi32>
      %jit3A_166 = arith.constant 0xFF800000 : f32
      %broadcast_in_dim3A_167 = vector.broadcast %jit3A_166 : f32 to vector<784x128xf32>
      %select_n3A_168 = arith.select %eq3A_165, %broadcast_in_dim3A_167, %select_n3A_152 : vector<784x128xi1>, vector<784x128xf32>
      %reduce_max3A_169 = arith.constant dense<0xFF800000> : vector<128xf32>
      %reduce_max3A_170 = vector.multi_reduction <maximumf>, %select_n3A_168, %reduce_max3A_169 [0] : vector<784x128xf32> to vector<128xf32>
      %broadcast_in_dim3A_171 = vector.shape_cast %reduce_max3A_170 : vector<128xf32> to vector<1x128xf32>
      %eq3A_172 = vector.broadcast %broadcast_in_dim3A_171 : vector<1x128xf32> to vector<784x128xf32>
      %eq3A_173 = arith.cmpf oeq, %select_n3A_168, %eq3A_172 : vector<784x128xf32>
      %jit3A_174 = arith.constant 2147483647 : i32
      %broadcast_in_dim3A_175 = vector.broadcast %jit3A_174 : i32 to vector<784x128xi32>
      %select_n3A_176 = arith.select %eq3A_173, %iota3A, %broadcast_in_dim3A_175 : vector<784x128xi1>, vector<784x128xi32>
      %reduce_min3A_177 = arith.constant dense<2147483647> : vector<128xi32>
      %reduce_min3A_178 = vector.multi_reduction <minsi>, %select_n3A_176, %reduce_min3A_177 [0] : vector<784x128xi32> to vector<128xi32>
      %broadcast_in_dim3A_179 = vector.shape_cast %reduce_min3A_178 : vector<128xi32> to vector<1x128xi32>
      %eq3A_180 = vector.broadcast %broadcast_in_dim3A_179 : vector<1x128xi32> to vector<784x128xi32>
      %eq3A_181 = arith.cmpi eq, %iota3A, %eq3A_180 : vector<784x128xi32>
      %jit3A_182 = arith.constant 0xFF800000 : f32
      %broadcast_in_dim3A_183 = vector.broadcast %jit3A_182 : f32 to vector<784x128xf32>
      %select_n3A_184 = arith.select %eq3A_181, %broadcast_in_dim3A_183, %select_n3A_168 : vector<784x128xi1>, vector<784x128xf32>
      %reduce_max3A_185 = arith.constant dense<0xFF800000> : vector<128xf32>
      %reduce_max3A_186 = vector.multi_reduction <maximumf>, %select_n3A_184, %reduce_max3A_185 [0] : vector<784x128xf32> to vector<128xf32>
      %broadcast_in_dim3A_187 = vector.shape_cast %reduce_max3A_186 : vector<128xf32> to vector<1x128xf32>
      %eq3A_188 = vector.broadcast %broadcast_in_dim3A_187 : vector<1x128xf32> to vector<784x128xf32>
      %eq3A_189 = arith.cmpf oeq, %select_n3A_184, %eq3A_188 : vector<784x128xf32>
      %jit3A_190 = arith.constant 2147483647 : i32
      %broadcast_in_dim3A_191 = vector.broadcast %jit3A_190 : i32 to vector<784x128xi32>
      %select_n3A_192 = arith.select %eq3A_189, %iota3A, %broadcast_in_dim3A_191 : vector<784x128xi1>, vector<784x128xi32>
      %reduce_min3A_193 = arith.constant dense<2147483647> : vector<128xi32>
      %reduce_min3A_194 = vector.multi_reduction <minsi>, %select_n3A_192, %reduce_min3A_193 [0] : vector<784x128xi32> to vector<128xi32>
      %broadcast_in_dim3A_195 = vector.shape_cast %reduce_min3A_194 : vector<128xi32> to vector<1x128xi32>
      %eq3A_196 = vector.broadcast %broadcast_in_dim3A_195 : vector<1x128xi32> to vector<784x128xi32>
      %eq3A_197 = arith.cmpi eq, %iota3A, %eq3A_196 : vector<784x128xi32>
      %jit3A_198 = arith.constant 0xFF800000 : f32
      %broadcast_in_dim3A_199 = vector.broadcast %jit3A_198 : f32 to vector<784x128xf32>
      %select_n3A_200 = arith.select %eq3A_197, %broadcast_in_dim3A_199, %select_n3A_184 : vector<784x128xi1>, vector<784x128xf32>
      %reduce_max3A_201 = arith.constant dense<0xFF800000> : vector<128xf32>
      %reduce_max3A_202 = vector.multi_reduction <maximumf>, %select_n3A_200, %reduce_max3A_201 [0] : vector<784x128xf32> to vector<128xf32>
      %broadcast_in_dim3A_203 = vector.shape_cast %reduce_max3A_202 : vector<128xf32> to vector<1x128xf32>
      %eq3A_204 = vector.broadcast %broadcast_in_dim3A_203 : vector<1x128xf32> to vector<784x128xf32>
      %eq3A_205 = arith.cmpf oeq, %select_n3A_200, %eq3A_204 : vector<784x128xf32>
      %jit3A_206 = arith.constant 2147483647 : i32
      %broadcast_in_dim3A_207 = vector.broadcast %jit3A_206 : i32 to vector<784x128xi32>
      %select_n3A_208 = arith.select %eq3A_205, %iota3A, %broadcast_in_dim3A_207 : vector<784x128xi1>, vector<784x128xi32>
      %reduce_min3A_209 = arith.constant dense<2147483647> : vector<128xi32>
      %reduce_min3A_210 = vector.multi_reduction <minsi>, %select_n3A_208, %reduce_min3A_209 [0] : vector<784x128xi32> to vector<128xi32>
      %broadcast_in_dim3A_211 = vector.shape_cast %reduce_min3A_210 : vector<128xi32> to vector<1x128xi32>
      %eq3A_212 = vector.broadcast %broadcast_in_dim3A_211 : vector<1x128xi32> to vector<784x128xi32>
      %eq3A_213 = arith.cmpi eq, %iota3A, %eq3A_212 : vector<784x128xi32>
      %jit3A_214 = arith.constant 0xFF800000 : f32
      %broadcast_in_dim3A_215 = vector.broadcast %jit3A_214 : f32 to vector<784x128xf32>
      %select_n3A_216 = arith.select %eq3A_213, %broadcast_in_dim3A_215, %select_n3A_200 : vector<784x128xi1>, vector<784x128xf32>
      %reduce_max3A_217 = arith.constant dense<0xFF800000> : vector<128xf32>
      %reduce_max3A_218 = vector.multi_reduction <maximumf>, %select_n3A_216, %reduce_max3A_217 [0] : vector<784x128xf32> to vector<128xf32>
      %broadcast_in_dim3A_219 = vector.shape_cast %reduce_max3A_218 : vector<128xf32> to vector<1x128xf32>
      %eq3A_220 = vector.broadcast %broadcast_in_dim3A_219 : vector<1x128xf32> to vector<784x128xf32>
      %eq3A_221 = arith.cmpf oeq, %select_n3A_216, %eq3A_220 : vector<784x128xf32>
      %jit3A_222 = arith.constant 2147483647 : i32
      %broadcast_in_dim3A_223 = vector.broadcast %jit3A_222 : i32 to vector<784x128xi32>
      %select_n3A_224 = arith.select %eq3A_221, %iota3A, %broadcast_in_dim3A_223 : vector<784x128xi1>, vector<784x128xi32>
      %reduce_min3A_225 = arith.constant dense<2147483647> : vector<128xi32>
      %reduce_min3A_226 = vector.multi_reduction <minsi>, %select_n3A_224, %reduce_min3A_225 [0] : vector<784x128xi32> to vector<128xi32>
      %broadcast_in_dim3A_227 = vector.shape_cast %reduce_min3A_226 : vector<128xi32> to vector<1x128xi32>
      %eq3A_228 = vector.broadcast %broadcast_in_dim3A_227 : vector<1x128xi32> to vector<784x128xi32>
      %eq3A_229 = arith.cmpi eq, %iota3A, %eq3A_228 : vector<784x128xi32>
      %jit3A_230 = arith.constant 0xFF800000 : f32
      %broadcast_in_dim3A_231 = vector.broadcast %jit3A_230 : f32 to vector<784x128xf32>
      %select_n3A_232 = arith.select %eq3A_229, %broadcast_in_dim3A_231, %select_n3A_216 : vector<784x128xi1>, vector<784x128xf32>
      %reduce_max3A_233 = arith.constant dense<0xFF800000> : vector<128xf32>
      %reduce_max3A_234 = vector.multi_reduction <maximumf>, %select_n3A_232, %reduce_max3A_233 [0] : vector<784x128xf32> to vector<128xf32>
      %broadcast_in_dim3A_235 = vector.shape_cast %reduce_max3A_234 : vector<128xf32> to vector<1x128xf32>
      %eq3A_236 = vector.broadcast %broadcast_in_dim3A_235 : vector<1x128xf32> to vector<784x128xf32>
      %eq3A_237 = arith.cmpf oeq, %select_n3A_232, %eq3A_236 : vector<784x128xf32>
      %jit3A_238 = arith.constant 2147483647 : i32
      %broadcast_in_dim3A_239 = vector.broadcast %jit3A_238 : i32 to vector<784x128xi32>
      %select_n3A_240 = arith.select %eq3A_237, %iota3A, %broadcast_in_dim3A_239 : vector<784x128xi1>, vector<784x128xi32>
      %reduce_min3A_241 = arith.constant dense<2147483647> : vector<128xi32>
      %reduce_min3A_242 = vector.multi_reduction <minsi>, %select_n3A_240, %reduce_min3A_241 [0] : vector<784x128xi32> to vector<128xi32>
      %broadcast_in_dim3A_243 = vector.shape_cast %reduce_min3A_242 : vector<128xi32> to vector<1x128xi32>
      %eq3A_244 = vector.broadcast %broadcast_in_dim3A_243 : vector<1x128xi32> to vector<784x128xi32>
      %eq3A_245 = arith.cmpi eq, %iota3A, %eq3A_244 : vector<784x128xi32>
      %jit3A_246 = arith.constant 0xFF800000 : f32
      %broadcast_in_dim3A_247 = vector.broadcast %jit3A_246 : f32 to vector<784x128xf32>
      %select_n3A_248 = arith.select %eq3A_245, %broadcast_in_dim3A_247, %select_n3A_232 : vector<784x128xi1>, vector<784x128xf32>
      %reduce_max3A_249 = arith.constant dense<0xFF800000> : vector<128xf32>
      %reduce_max3A_250 = vector.multi_reduction <maximumf>, %select_n3A_248, %reduce_max3A_249 [0] : vector<784x128xf32> to vector<128xf32>
      %broadcast_in_dim3A_251 = vector.shape_cast %reduce_max3A_250 : vector<128xf32> to vector<1x128xf32>
      %eq3A_252 = vector.broadcast %broadcast_in_dim3A_251 : vector<1x128xf32> to vector<784x128xf32>
      %eq3A_253 = arith.cmpf oeq, %select_n3A_248, %eq3A_252 : vector<784x128xf32>
      %jit3A_254 = arith.constant 2147483647 : i32
      %broadcast_in_dim3A_255 = vector.broadcast %jit3A_254 : i32 to vector<784x128xi32>
      %select_n3A_256 = arith.select %eq3A_253, %iota3A, %broadcast_in_dim3A_255 : vector<784x128xi1>, vector<784x128xi32>
      %reduce_min3A_257 = arith.constant dense<2147483647> : vector<128xi32>
      %reduce_min3A_258 = vector.multi_reduction <minsi>, %select_n3A_256, %reduce_min3A_257 [0] : vector<784x128xi32> to vector<128xi32>
      %broadcast_in_dim3A_259 = vector.shape_cast %reduce_min3A_258 : vector<128xi32> to vector<1x128xi32>
      %eq3A_260 = vector.broadcast %broadcast_in_dim3A_259 : vector<1x128xi32> to vector<784x128xi32>
      %eq3A_261 = arith.cmpi eq, %iota3A, %eq3A_260 : vector<784x128xi32>
      %jit3A_262 = arith.constant 0xFF800000 : f32
      %broadcast_in_dim3A_263 = vector.broadcast %jit3A_262 : f32 to vector<784x128xf32>
      %select_n3A_264 = arith.select %eq3A_261, %broadcast_in_dim3A_263, %select_n3A_248 : vector<784x128xi1>, vector<784x128xf32>
      %reduce_max3A_265 = arith.constant dense<0xFF800000> : vector<128xf32>
      %reduce_max3A_266 = vector.multi_reduction <maximumf>, %select_n3A_264, %reduce_max3A_265 [0] : vector<784x128xf32> to vector<128xf32>
      %broadcast_in_dim3A_267 = vector.shape_cast %reduce_max3A_266 : vector<128xf32> to vector<1x128xf32>
      %eq3A_268 = vector.broadcast %broadcast_in_dim3A_267 : vector<1x128xf32> to vector<784x128xf32>
      %eq3A_269 = arith.cmpf oeq, %select_n3A_264, %eq3A_268 : vector<784x128xf32>
      %jit3A_270 = arith.constant 2147483647 : i32
      %broadcast_in_dim3A_271 = vector.broadcast %jit3A_270 : i32 to vector<784x128xi32>
      %select_n3A_272 = arith.select %eq3A_269, %iota3A, %broadcast_in_dim3A_271 : vector<784x128xi1>, vector<784x128xi32>
      %reduce_min3A_273 = arith.constant dense<2147483647> : vector<128xi32>
      %reduce_min3A_274 = vector.multi_reduction <minsi>, %select_n3A_272, %reduce_min3A_273 [0] : vector<784x128xi32> to vector<128xi32>
      %broadcast_in_dim3A_275 = vector.shape_cast %reduce_min3A_274 : vector<128xi32> to vector<1x128xi32>
      %eq3A_276 = vector.broadcast %broadcast_in_dim3A_275 : vector<1x128xi32> to vector<784x128xi32>
      %eq3A_277 = arith.cmpi eq, %iota3A, %eq3A_276 : vector<784x128xi32>
      %jit3A_278 = arith.constant 0xFF800000 : f32
      %broadcast_in_dim3A_279 = vector.broadcast %jit3A_278 : f32 to vector<784x128xf32>
      %select_n3A_280 = arith.select %eq3A_277, %broadcast_in_dim3A_279, %select_n3A_264 : vector<784x128xi1>, vector<784x128xf32>
      %reduce_max3A_281 = arith.constant dense<0xFF800000> : vector<128xf32>
      %reduce_max3A_282 = vector.multi_reduction <maximumf>, %select_n3A_280, %reduce_max3A_281 [0] : vector<784x128xf32> to vector<128xf32>
      %broadcast_in_dim3A_283 = vector.shape_cast %reduce_max3A_282 : vector<128xf32> to vector<1x128xf32>
      %eq3A_284 = vector.broadcast %broadcast_in_dim3A_283 : vector<1x128xf32> to vector<784x128xf32>
      %eq3A_285 = arith.cmpf oeq, %select_n3A_280, %eq3A_284 : vector<784x128xf32>
      %jit3A_286 = arith.constant 2147483647 : i32
      %broadcast_in_dim3A_287 = vector.broadcast %jit3A_286 : i32 to vector<784x128xi32>
      %select_n3A_288 = arith.select %eq3A_285, %iota3A, %broadcast_in_dim3A_287 : vector<784x128xi1>, vector<784x128xi32>
      %reduce_min3A_289 = arith.constant dense<2147483647> : vector<128xi32>
      %reduce_min3A_290 = vector.multi_reduction <minsi>, %select_n3A_288, %reduce_min3A_289 [0] : vector<784x128xi32> to vector<128xi32>
      %broadcast_in_dim3A_291 = vector.shape_cast %reduce_min3A_290 : vector<128xi32> to vector<1x128xi32>
      %eq3A_292 = vector.broadcast %broadcast_in_dim3A_291 : vector<1x128xi32> to vector<784x128xi32>
      %eq3A_293 = arith.cmpi eq, %iota3A, %eq3A_292 : vector<784x128xi32>
      %jit3A_294 = arith.constant 0xFF800000 : f32
      %broadcast_in_dim3A_295 = vector.broadcast %jit3A_294 : f32 to vector<784x128xf32>
      %select_n3A_296 = arith.select %eq3A_293, %broadcast_in_dim3A_295, %select_n3A_280 : vector<784x128xi1>, vector<784x128xf32>
      %reduce_max3A_297 = arith.constant dense<0xFF800000> : vector<128xf32>
      %reduce_max3A_298 = vector.multi_reduction <maximumf>, %select_n3A_296, %reduce_max3A_297 [0] : vector<784x128xf32> to vector<128xf32>
      %broadcast_in_dim3A_299 = vector.shape_cast %reduce_max3A_298 : vector<128xf32> to vector<1x128xf32>
      %eq3A_300 = vector.broadcast %broadcast_in_dim3A_299 : vector<1x128xf32> to vector<784x128xf32>
      %eq3A_301 = arith.cmpf oeq, %select_n3A_296, %eq3A_300 : vector<784x128xf32>
      %jit3A_302 = arith.constant 2147483647 : i32
      %broadcast_in_dim3A_303 = vector.broadcast %jit3A_302 : i32 to vector<784x128xi32>
      %select_n3A_304 = arith.select %eq3A_301, %iota3A, %broadcast_in_dim3A_303 : vector<784x128xi1>, vector<784x128xi32>
      %reduce_min3A_305 = arith.constant dense<2147483647> : vector<128xi32>
      %reduce_min3A_306 = vector.multi_reduction <minsi>, %select_n3A_304, %reduce_min3A_305 [0] : vector<784x128xi32> to vector<128xi32>
      %broadcast_in_dim3A_307 = vector.shape_cast %reduce_min3A_306 : vector<128xi32> to vector<1x128xi32>
      %eq3A_308 = vector.broadcast %broadcast_in_dim3A_307 : vector<1x128xi32> to vector<784x128xi32>
      %eq3A_309 = arith.cmpi eq, %iota3A, %eq3A_308 : vector<784x128xi32>
      %jit3A_310 = arith.constant 0xFF800000 : f32
      %broadcast_in_dim3A_311 = vector.broadcast %jit3A_310 : f32 to vector<784x128xf32>
      %select_n3A_312 = arith.select %eq3A_309, %broadcast_in_dim3A_311, %select_n3A_296 : vector<784x128xi1>, vector<784x128xf32>
      %reduce_max3A_313 = arith.constant dense<0xFF800000> : vector<128xf32>
      %reduce_max3A_314 = vector.multi_reduction <maximumf>, %select_n3A_312, %reduce_max3A_313 [0] : vector<784x128xf32> to vector<128xf32>
      %broadcast_in_dim3A_315 = vector.shape_cast %reduce_max3A_314 : vector<128xf32> to vector<1x128xf32>
      %eq3A_316 = vector.broadcast %broadcast_in_dim3A_315 : vector<1x128xf32> to vector<784x128xf32>
      %eq3A_317 = arith.cmpf oeq, %select_n3A_312, %eq3A_316 : vector<784x128xf32>
      %jit3A_318 = arith.constant 2147483647 : i32
      %broadcast_in_dim3A_319 = vector.broadcast %jit3A_318 : i32 to vector<784x128xi32>
      %select_n3A_320 = arith.select %eq3A_317, %iota3A, %broadcast_in_dim3A_319 : vector<784x128xi1>, vector<784x128xi32>
      %reduce_min3A_321 = arith.constant dense<2147483647> : vector<128xi32>
      %reduce_min3A_322 = vector.multi_reduction <minsi>, %select_n3A_320, %reduce_min3A_321 [0] : vector<784x128xi32> to vector<128xi32>
      %broadcast_in_dim3A_323 = vector.shape_cast %reduce_min3A_322 : vector<128xi32> to vector<1x128xi32>
      %eq3A_324 = vector.broadcast %broadcast_in_dim3A_323 : vector<1x128xi32> to vector<784x128xi32>
      %eq3A_325 = arith.cmpi eq, %iota3A, %eq3A_324 : vector<784x128xi32>
      %jit3A_326 = arith.constant 0xFF800000 : f32
      %broadcast_in_dim3A_327 = vector.broadcast %jit3A_326 : f32 to vector<784x128xf32>
      %select_n3A_328 = arith.select %eq3A_325, %broadcast_in_dim3A_327, %select_n3A_312 : vector<784x128xi1>, vector<784x128xf32>
      %reduce_max3A_329 = arith.constant dense<0xFF800000> : vector<128xf32>
      %reduce_max3A_330 = vector.multi_reduction <maximumf>, %select_n3A_328, %reduce_max3A_329 [0] : vector<784x128xf32> to vector<128xf32>
      %broadcast_in_dim3A_331 = vector.shape_cast %reduce_max3A_330 : vector<128xf32> to vector<1x128xf32>
      %eq3A_332 = vector.broadcast %broadcast_in_dim3A_331 : vector<1x128xf32> to vector<784x128xf32>
      %eq3A_333 = arith.cmpf oeq, %select_n3A_328, %eq3A_332 : vector<784x128xf32>
      %jit3A_334 = arith.constant 2147483647 : i32
      %broadcast_in_dim3A_335 = vector.broadcast %jit3A_334 : i32 to vector<784x128xi32>
      %select_n3A_336 = arith.select %eq3A_333, %iota3A, %broadcast_in_dim3A_335 : vector<784x128xi1>, vector<784x128xi32>
      %reduce_min3A_337 = arith.constant dense<2147483647> : vector<128xi32>
      %reduce_min3A_338 = vector.multi_reduction <minsi>, %select_n3A_336, %reduce_min3A_337 [0] : vector<784x128xi32> to vector<128xi32>
      %broadcast_in_dim3A_339 = vector.shape_cast %reduce_min3A_338 : vector<128xi32> to vector<1x128xi32>
      %concatenate3A_340 = tpu.concatenate %broadcast_in_dim3A_99, %broadcast_in_dim3A_115, %broadcast_in_dim3A_131, %broadcast_in_dim3A_147, %broadcast_in_dim3A_163, %broadcast_in_dim3A_179, %broadcast_in_dim3A_195, %broadcast_in_dim3A_211, %broadcast_in_dim3A_227, %broadcast_in_dim3A_243, %broadcast_in_dim3A_259, %broadcast_in_dim3A_275, %broadcast_in_dim3A_291, %broadcast_in_dim3A_307, %broadcast_in_dim3A_323, %broadcast_in_dim3A_339 in 0 : vector<1x128xi32>, vector<1x128xi32>, vector<1x128xi32>, vector<1x128xi32>, vector<1x128xi32>, vector<1x128xi32>, vector<1x128xi32>, vector<1x128xi32>, vector<1x128xi32>, vector<1x128xi32>, vector<1x128xi32>, vector<1x128xi32>, vector<1x128xi32>, vector<1x128xi32>, vector<1x128xi32>, vector<1x128xi32> -> vector<16x128xi32>
      %mul3A_341 = arith.constant 128 : i32
      %mul3A_342 = arith.muli %arg0, %mul3A_341 : i32
      %iota3A_343 = tpu.iota {dimensions = array<i32: 1>} : vector<16x128xi32>
      %add3A_344 = vector.broadcast %mul3A_342 : i32 to vector<16x128xi32>
      %add3A_345 = arith.addi %add3A_344, %iota3A_343 : vector<16x128xi32>
      %mul3A_346 = arith.constant 784 : i32
      %mul3A_347 = vector.broadcast %mul3A_346 : i32 to vector<16x128xi32>
      %mul3A_348 = arith.muli %add3A_345, %mul3A_347 : vector<16x128xi32>
      %add3A_349 = arith.addi %mul3A_348, %concatenate3A_340 : vector<16x128xi32>
      %swap3A_350 = arith.constant 0 : index
      %swap3A_351 = arith.constant 0 : index
      %swap3A_352 = vector.load %arg5[%swap3A_350, %swap3A_351] : memref<16x128xi32, #tpu.memory_space<vmem>>, vector<16x128xi32>
      tpu.vector_store %arg5[%swap3A_350, %swap3A_351], %add3A_349 {strides = array<i32>} : memref<16x128xi32, #tpu.memory_space<vmem>>, vector<16x128xi32>,
    } else {
    }
    return
  }
  func.func @transform_0(%arg0: i32, %arg1: i32) -> (i32, i32) {
    %c0_i32 = arith.constant 0 : i32
    %c0_i32_0 = arith.constant 0 : i32
    return %arg0, %c0_i32 : i32, i32
  }
  func.func @transform_1(%arg0: i32, %arg1: i32) -> (i32, i32) {
    %c0_i32 = arith.constant 0 : i32
    %c0_i32_0 = arith.constant 0 : i32
    return %c0_i32, %arg1 : i32, i32
  }
  func.func @transform_2(%arg0: i32, %arg1: i32) -> (i32, i32) {
    %c0_i32 = arith.constant 0 : i32
    return %arg0, %arg1 : i32, i32
  }
  func.func @transform_3(%arg0: i32, %arg1: i32) -> (i32, i32) {
    %c0_i32 = arith.constant 0 : i32
    %c0_i32_0 = arith.constant 0 : i32
    return %c0_i32, %arg0 : i32, i32
  }
}

module attributes {stable_mosaic.version = 14 : i64} {
  func.func @_final_body(%arg0: i32, %arg1: memref<256x2048xf32, #tpu.memory_space<vmem>>, %arg2: memref<256x16xi32, #tpu.memory_space<vmem>>, %arg3: memref<256x16xf32, #tpu.memory_space<vmem>>, %arg4: memref<256x16xi32, #tpu.memory_space<vmem>>) attributes {dimension_semantics = [#tpu.dimension_semantics<arbitrary>], iteration_bounds = array<i64: 4>, scalar_prefetch = 0 : i64, scratch_operands = 0 : i64, tpu.core_type = #tpu.core_type<tc>, window_params = [{transform_indices = @transform_0, window_bounds = array<i64: 256, 2048>}, {transform_indices = @transform_1, window_bounds = array<i64: 256, 16>}, {transform_indices = @transform_2, window_bounds = array<i64: 256, 16>}, {transform_indices = @transform_3, window_bounds = array<i64: 256, 16>}]} {
    %get3A = arith.constant 0 : index
    %get3A_0 = arith.constant 0 : index
    %get3A_1 = vector.load %arg1[%get3A, %get3A_0] : memref<256x2048xf32, #tpu.memory_space<vmem>>, vector<256x2048xf32>
    %get3A_2 = arith.constant 0 : index
    %get3A_3 = arith.constant 0 : index
    %get3A_4 = vector.load %arg2[%get3A_2, %get3A_3] : memref<256x16xi32, #tpu.memory_space<vmem>>, vector<256x16xi32>
    %mul3A = arith.constant 256 : i32
    %mul3A_5 = arith.muli %arg0, %mul3A : i32
    %iota3A = tpu.iota {dimensions = array<i32: 0>} : vector<256x16xi32>
    %add3A = vector.broadcast %mul3A_5 : i32 to vector<256x16xi32>
    %add3A_6 = arith.addi %add3A, %iota3A : vector<256x16xi32>
    %mul3A_7 = arith.constant 784 : i32
    %mul3A_8 = vector.broadcast %mul3A_7 : i32 to vector<256x16xi32>
    %mul3A_9 = arith.muli %add3A_6, %mul3A_8 : vector<256x16xi32>
    %sub3A = arith.subi %get3A_4, %mul3A_9 : vector<256x16xi32>
    %mul3A_10 = arith.constant 128 : i32
    %mul3A_11 = vector.broadcast %mul3A_10 : i32 to vector<256x16xi32>
    %mul3A_12 = arith.muli %sub3A, %mul3A_11 : vector<256x16xi32>
    %iota3A_13 = tpu.iota {dimensions = array<i32: 1>} : vector<256x128xi32>
    %slice3A = vector.extract_strided_slice %mul3A_12 {offsets = [0, 0], sizes = [256, 1], strides = [1, 1]} : vector<256x16xi32> to vector<256x1xi32>
    %add3A_14 = vector.broadcast %slice3A : vector<256x1xi32> to vector<256x128xi32>
    %add3A_15 = arith.addi %add3A_14, %iota3A_13 : vector<256x128xi32>
    %slice3A_16 = vector.extract_strided_slice %mul3A_12 {offsets = [0, 1], sizes = [256, 1], strides = [1, 1]} : vector<256x16xi32> to vector<256x1xi32>
    %add3A_17 = vector.broadcast %slice3A_16 : vector<256x1xi32> to vector<256x128xi32>
    %add3A_18 = arith.addi %add3A_17, %iota3A_13 : vector<256x128xi32>
    %slice3A_19 = vector.extract_strided_slice %mul3A_12 {offsets = [0, 2], sizes = [256, 1], strides = [1, 1]} : vector<256x16xi32> to vector<256x1xi32>
    %add3A_20 = vector.broadcast %slice3A_19 : vector<256x1xi32> to vector<256x128xi32>
    %add3A_21 = arith.addi %add3A_20, %iota3A_13 : vector<256x128xi32>
    %slice3A_22 = vector.extract_strided_slice %mul3A_12 {offsets = [0, 3], sizes = [256, 1], strides = [1, 1]} : vector<256x16xi32> to vector<256x1xi32>
    %add3A_23 = vector.broadcast %slice3A_22 : vector<256x1xi32> to vector<256x128xi32>
    %add3A_24 = arith.addi %add3A_23, %iota3A_13 : vector<256x128xi32>
    %slice3A_25 = vector.extract_strided_slice %mul3A_12 {offsets = [0, 4], sizes = [256, 1], strides = [1, 1]} : vector<256x16xi32> to vector<256x1xi32>
    %add3A_26 = vector.broadcast %slice3A_25 : vector<256x1xi32> to vector<256x128xi32>
    %add3A_27 = arith.addi %add3A_26, %iota3A_13 : vector<256x128xi32>
    %slice3A_28 = vector.extract_strided_slice %mul3A_12 {offsets = [0, 5], sizes = [256, 1], strides = [1, 1]} : vector<256x16xi32> to vector<256x1xi32>
    %add3A_29 = vector.broadcast %slice3A_28 : vector<256x1xi32> to vector<256x128xi32>
    %add3A_30 = arith.addi %add3A_29, %iota3A_13 : vector<256x128xi32>
    %slice3A_31 = vector.extract_strided_slice %mul3A_12 {offsets = [0, 6], sizes = [256, 1], strides = [1, 1]} : vector<256x16xi32> to vector<256x1xi32>
    %add3A_32 = vector.broadcast %slice3A_31 : vector<256x1xi32> to vector<256x128xi32>
    %add3A_33 = arith.addi %add3A_32, %iota3A_13 : vector<256x128xi32>
    %slice3A_34 = vector.extract_strided_slice %mul3A_12 {offsets = [0, 7], sizes = [256, 1], strides = [1, 1]} : vector<256x16xi32> to vector<256x1xi32>
    %add3A_35 = vector.broadcast %slice3A_34 : vector<256x1xi32> to vector<256x128xi32>
    %add3A_36 = arith.addi %add3A_35, %iota3A_13 : vector<256x128xi32>
    %slice3A_37 = vector.extract_strided_slice %mul3A_12 {offsets = [0, 8], sizes = [256, 1], strides = [1, 1]} : vector<256x16xi32> to vector<256x1xi32>
    %add3A_38 = vector.broadcast %slice3A_37 : vector<256x1xi32> to vector<256x128xi32>
    %add3A_39 = arith.addi %add3A_38, %iota3A_13 : vector<256x128xi32>
    %slice3A_40 = vector.extract_strided_slice %mul3A_12 {offsets = [0, 9], sizes = [256, 1], strides = [1, 1]} : vector<256x16xi32> to vector<256x1xi32>
    %add3A_41 = vector.broadcast %slice3A_40 : vector<256x1xi32> to vector<256x128xi32>
    %add3A_42 = arith.addi %add3A_41, %iota3A_13 : vector<256x128xi32>
    %slice3A_43 = vector.extract_strided_slice %mul3A_12 {offsets = [0, 10], sizes = [256, 1], strides = [1, 1]} : vector<256x16xi32> to vector<256x1xi32>
    %add3A_44 = vector.broadcast %slice3A_43 : vector<256x1xi32> to vector<256x128xi32>
    %add3A_45 = arith.addi %add3A_44, %iota3A_13 : vector<256x128xi32>
    %slice3A_46 = vector.extract_strided_slice %mul3A_12 {offsets = [0, 11], sizes = [256, 1], strides = [1, 1]} : vector<256x16xi32> to vector<256x1xi32>
    %add3A_47 = vector.broadcast %slice3A_46 : vector<256x1xi32> to vector<256x128xi32>
    %add3A_48 = arith.addi %add3A_47, %iota3A_13 : vector<256x128xi32>
    %slice3A_49 = vector.extract_strided_slice %mul3A_12 {offsets = [0, 12], sizes = [256, 1], strides = [1, 1]} : vector<256x16xi32> to vector<256x1xi32>
    %add3A_50 = vector.broadcast %slice3A_49 : vector<256x1xi32> to vector<256x128xi32>
    %add3A_51 = arith.addi %add3A_50, %iota3A_13 : vector<256x128xi32>
    %slice3A_52 = vector.extract_strided_slice %mul3A_12 {offsets = [0, 13], sizes = [256, 1], strides = [1, 1]} : vector<256x16xi32> to vector<256x1xi32>
    %add3A_53 = vector.broadcast %slice3A_52 : vector<256x1xi32> to vector<256x128xi32>
    %add3A_54 = arith.addi %add3A_53, %iota3A_13 : vector<256x128xi32>
    %slice3A_55 = vector.extract_strided_slice %mul3A_12 {offsets = [0, 14], sizes = [256, 1], strides = [1, 1]} : vector<256x16xi32> to vector<256x1xi32>
    %add3A_56 = vector.broadcast %slice3A_55 : vector<256x1xi32> to vector<256x128xi32>
    %add3A_57 = arith.addi %add3A_56, %iota3A_13 : vector<256x128xi32>
    %slice3A_58 = vector.extract_strided_slice %mul3A_12 {offsets = [0, 15], sizes = [256, 1], strides = [1, 1]} : vector<256x16xi32> to vector<256x1xi32>
    %add3A_59 = vector.broadcast %slice3A_58 : vector<256x1xi32> to vector<256x128xi32>
    %add3A_60 = arith.addi %add3A_59, %iota3A_13 : vector<256x128xi32>
    %concatenate3A = tpu.concatenate %add3A_15, %add3A_18, %add3A_21, %add3A_24, %add3A_27, %add3A_30, %add3A_33, %add3A_36, %add3A_39, %add3A_42, %add3A_45, %add3A_48, %add3A_51, %add3A_54, %add3A_57, %add3A_60 in 1 : vector<256x128xi32>, vector<256x128xi32>, vector<256x128xi32>, vector<256x128xi32>, vector<256x128xi32>, vector<256x128xi32>, vector<256x128xi32>, vector<256x128xi32>, vector<256x128xi32>, vector<256x128xi32>, vector<256x128xi32>, vector<256x128xi32>, vector<256x128xi32>, vector<256x128xi32>, vector<256x128xi32>, vector<256x128xi32> -> vector<256x2048xi32>
    %reduce_max3A = arith.constant dense<0xFF800000> : vector<256xf32>
    %reduce_max3A_61 = vector.multi_reduction <maximumf>, %get3A_1, %reduce_max3A [1] : vector<256x2048xf32> to vector<256xf32>
    %broadcast_in_dim3A = vector.shape_cast %reduce_max3A_61 : vector<256xf32> to vector<256x1xf32>
    %eq3A = vector.broadcast %broadcast_in_dim3A : vector<256x1xf32> to vector<256x2048xf32>
    %eq3A_62 = arith.cmpf oeq, %get3A_1, %eq3A : vector<256x2048xf32>
    %jit3A = arith.constant 2147483647 : i32
    %broadcast_in_dim3A_63 = vector.broadcast %jit3A : i32 to vector<256x2048xi32>
    %select_n3A = arith.select %eq3A_62, %concatenate3A, %broadcast_in_dim3A_63 : vector<256x2048xi1>, vector<256x2048xi32>
    %reduce_min3A = arith.constant dense<2147483647> : vector<256xi32>
    %reduce_min3A_64 = vector.multi_reduction <minsi>, %select_n3A, %reduce_min3A [1] : vector<256x2048xi32> to vector<256xi32>
    %broadcast_in_dim3A_65 = vector.shape_cast %reduce_min3A_64 : vector<256xi32> to vector<256x1xi32>
    %eq3A_66 = vector.broadcast %broadcast_in_dim3A_65 : vector<256x1xi32> to vector<256x2048xi32>
    %eq3A_67 = arith.cmpi eq, %concatenate3A, %eq3A_66 : vector<256x2048xi32>
    %jit3A_68 = arith.constant 0xFF800000 : f32
    %broadcast_in_dim3A_69 = vector.broadcast %jit3A_68 : f32 to vector<256x2048xf32>
    %select_n3A_70 = arith.select %eq3A_67, %broadcast_in_dim3A_69, %get3A_1 : vector<256x2048xi1>, vector<256x2048xf32>
    %reduce_max3A_71 = arith.constant dense<0xFF800000> : vector<256xf32>
    %reduce_max3A_72 = vector.multi_reduction <maximumf>, %select_n3A_70, %reduce_max3A_71 [1] : vector<256x2048xf32> to vector<256xf32>
    %broadcast_in_dim3A_73 = vector.shape_cast %reduce_max3A_72 : vector<256xf32> to vector<256x1xf32>
    %eq3A_74 = vector.broadcast %broadcast_in_dim3A_73 : vector<256x1xf32> to vector<256x2048xf32>
    %eq3A_75 = arith.cmpf oeq, %select_n3A_70, %eq3A_74 : vector<256x2048xf32>
    %jit3A_76 = arith.constant 2147483647 : i32
    %broadcast_in_dim3A_77 = vector.broadcast %jit3A_76 : i32 to vector<256x2048xi32>
    %select_n3A_78 = arith.select %eq3A_75, %concatenate3A, %broadcast_in_dim3A_77 : vector<256x2048xi1>, vector<256x2048xi32>
    %reduce_min3A_79 = arith.constant dense<2147483647> : vector<256xi32>
    %reduce_min3A_80 = vector.multi_reduction <minsi>, %select_n3A_78, %reduce_min3A_79 [1] : vector<256x2048xi32> to vector<256xi32>
    %broadcast_in_dim3A_81 = vector.shape_cast %reduce_min3A_80 : vector<256xi32> to vector<256x1xi32>
    %eq3A_82 = vector.broadcast %broadcast_in_dim3A_81 : vector<256x1xi32> to vector<256x2048xi32>
    %eq3A_83 = arith.cmpi eq, %concatenate3A, %eq3A_82 : vector<256x2048xi32>
    %jit3A_84 = arith.constant 0xFF800000 : f32
    %broadcast_in_dim3A_85 = vector.broadcast %jit3A_84 : f32 to vector<256x2048xf32>
    %select_n3A_86 = arith.select %eq3A_83, %broadcast_in_dim3A_85, %select_n3A_70 : vector<256x2048xi1>, vector<256x2048xf32>
    %reduce_max3A_87 = arith.constant dense<0xFF800000> : vector<256xf32>
    %reduce_max3A_88 = vector.multi_reduction <maximumf>, %select_n3A_86, %reduce_max3A_87 [1] : vector<256x2048xf32> to vector<256xf32>
    %broadcast_in_dim3A_89 = vector.shape_cast %reduce_max3A_88 : vector<256xf32> to vector<256x1xf32>
    %eq3A_90 = vector.broadcast %broadcast_in_dim3A_89 : vector<256x1xf32> to vector<256x2048xf32>
    %eq3A_91 = arith.cmpf oeq, %select_n3A_86, %eq3A_90 : vector<256x2048xf32>
    %jit3A_92 = arith.constant 2147483647 : i32
    %broadcast_in_dim3A_93 = vector.broadcast %jit3A_92 : i32 to vector<256x2048xi32>
    %select_n3A_94 = arith.select %eq3A_91, %concatenate3A, %broadcast_in_dim3A_93 : vector<256x2048xi1>, vector<256x2048xi32>
    %reduce_min3A_95 = arith.constant dense<2147483647> : vector<256xi32>
    %reduce_min3A_96 = vector.multi_reduction <minsi>, %select_n3A_94, %reduce_min3A_95 [1] : vector<256x2048xi32> to vector<256xi32>
    %broadcast_in_dim3A_97 = vector.shape_cast %reduce_min3A_96 : vector<256xi32> to vector<256x1xi32>
    %eq3A_98 = vector.broadcast %broadcast_in_dim3A_97 : vector<256x1xi32> to vector<256x2048xi32>
    %eq3A_99 = arith.cmpi eq, %concatenate3A, %eq3A_98 : vector<256x2048xi32>
    %jit3A_100 = arith.constant 0xFF800000 : f32
    %broadcast_in_dim3A_101 = vector.broadcast %jit3A_100 : f32 to vector<256x2048xf32>
    %select_n3A_102 = arith.select %eq3A_99, %broadcast_in_dim3A_101, %select_n3A_86 : vector<256x2048xi1>, vector<256x2048xf32>
    %reduce_max3A_103 = arith.constant dense<0xFF800000> : vector<256xf32>
    %reduce_max3A_104 = vector.multi_reduction <maximumf>, %select_n3A_102, %reduce_max3A_103 [1] : vector<256x2048xf32> to vector<256xf32>
    %broadcast_in_dim3A_105 = vector.shape_cast %reduce_max3A_104 : vector<256xf32> to vector<256x1xf32>
    %eq3A_106 = vector.broadcast %broadcast_in_dim3A_105 : vector<256x1xf32> to vector<256x2048xf32>
    %eq3A_107 = arith.cmpf oeq, %select_n3A_102, %eq3A_106 : vector<256x2048xf32>
    %jit3A_108 = arith.constant 2147483647 : i32
    %broadcast_in_dim3A_109 = vector.broadcast %jit3A_108 : i32 to vector<256x2048xi32>
    %select_n3A_110 = arith.select %eq3A_107, %concatenate3A, %broadcast_in_dim3A_109 : vector<256x2048xi1>, vector<256x2048xi32>
    %reduce_min3A_111 = arith.constant dense<2147483647> : vector<256xi32>
    %reduce_min3A_112 = vector.multi_reduction <minsi>, %select_n3A_110, %reduce_min3A_111 [1] : vector<256x2048xi32> to vector<256xi32>
    %broadcast_in_dim3A_113 = vector.shape_cast %reduce_min3A_112 : vector<256xi32> to vector<256x1xi32>
    %eq3A_114 = vector.broadcast %broadcast_in_dim3A_113 : vector<256x1xi32> to vector<256x2048xi32>
    %eq3A_115 = arith.cmpi eq, %concatenate3A, %eq3A_114 : vector<256x2048xi32>
    %jit3A_116 = arith.constant 0xFF800000 : f32
    %broadcast_in_dim3A_117 = vector.broadcast %jit3A_116 : f32 to vector<256x2048xf32>
    %select_n3A_118 = arith.select %eq3A_115, %broadcast_in_dim3A_117, %select_n3A_102 : vector<256x2048xi1>, vector<256x2048xf32>
    %reduce_max3A_119 = arith.constant dense<0xFF800000> : vector<256xf32>
    %reduce_max3A_120 = vector.multi_reduction <maximumf>, %select_n3A_118, %reduce_max3A_119 [1] : vector<256x2048xf32> to vector<256xf32>
    %broadcast_in_dim3A_121 = vector.shape_cast %reduce_max3A_120 : vector<256xf32> to vector<256x1xf32>
    %eq3A_122 = vector.broadcast %broadcast_in_dim3A_121 : vector<256x1xf32> to vector<256x2048xf32>
    %eq3A_123 = arith.cmpf oeq, %select_n3A_118, %eq3A_122 : vector<256x2048xf32>
    %jit3A_124 = arith.constant 2147483647 : i32
    %broadcast_in_dim3A_125 = vector.broadcast %jit3A_124 : i32 to vector<256x2048xi32>
    %select_n3A_126 = arith.select %eq3A_123, %concatenate3A, %broadcast_in_dim3A_125 : vector<256x2048xi1>, vector<256x2048xi32>
    %reduce_min3A_127 = arith.constant dense<2147483647> : vector<256xi32>
    %reduce_min3A_128 = vector.multi_reduction <minsi>, %select_n3A_126, %reduce_min3A_127 [1] : vector<256x2048xi32> to vector<256xi32>
    %broadcast_in_dim3A_129 = vector.shape_cast %reduce_min3A_128 : vector<256xi32> to vector<256x1xi32>
    %eq3A_130 = vector.broadcast %broadcast_in_dim3A_129 : vector<256x1xi32> to vector<256x2048xi32>
    %eq3A_131 = arith.cmpi eq, %concatenate3A, %eq3A_130 : vector<256x2048xi32>
    %jit3A_132 = arith.constant 0xFF800000 : f32
    %broadcast_in_dim3A_133 = vector.broadcast %jit3A_132 : f32 to vector<256x2048xf32>
    %select_n3A_134 = arith.select %eq3A_131, %broadcast_in_dim3A_133, %select_n3A_118 : vector<256x2048xi1>, vector<256x2048xf32>
    %reduce_max3A_135 = arith.constant dense<0xFF800000> : vector<256xf32>
    %reduce_max3A_136 = vector.multi_reduction <maximumf>, %select_n3A_134, %reduce_max3A_135 [1] : vector<256x2048xf32> to vector<256xf32>
    %broadcast_in_dim3A_137 = vector.shape_cast %reduce_max3A_136 : vector<256xf32> to vector<256x1xf32>
    %eq3A_138 = vector.broadcast %broadcast_in_dim3A_137 : vector<256x1xf32> to vector<256x2048xf32>
    %eq3A_139 = arith.cmpf oeq, %select_n3A_134, %eq3A_138 : vector<256x2048xf32>
    %jit3A_140 = arith.constant 2147483647 : i32
    %broadcast_in_dim3A_141 = vector.broadcast %jit3A_140 : i32 to vector<256x2048xi32>
    %select_n3A_142 = arith.select %eq3A_139, %concatenate3A, %broadcast_in_dim3A_141 : vector<256x2048xi1>, vector<256x2048xi32>
    %reduce_min3A_143 = arith.constant dense<2147483647> : vector<256xi32>
    %reduce_min3A_144 = vector.multi_reduction <minsi>, %select_n3A_142, %reduce_min3A_143 [1] : vector<256x2048xi32> to vector<256xi32>
    %broadcast_in_dim3A_145 = vector.shape_cast %reduce_min3A_144 : vector<256xi32> to vector<256x1xi32>
    %eq3A_146 = vector.broadcast %broadcast_in_dim3A_145 : vector<256x1xi32> to vector<256x2048xi32>
    %eq3A_147 = arith.cmpi eq, %concatenate3A, %eq3A_146 : vector<256x2048xi32>
    %jit3A_148 = arith.constant 0xFF800000 : f32
    %broadcast_in_dim3A_149 = vector.broadcast %jit3A_148 : f32 to vector<256x2048xf32>
    %select_n3A_150 = arith.select %eq3A_147, %broadcast_in_dim3A_149, %select_n3A_134 : vector<256x2048xi1>, vector<256x2048xf32>
    %reduce_max3A_151 = arith.constant dense<0xFF800000> : vector<256xf32>
    %reduce_max3A_152 = vector.multi_reduction <maximumf>, %select_n3A_150, %reduce_max3A_151 [1] : vector<256x2048xf32> to vector<256xf32>
    %broadcast_in_dim3A_153 = vector.shape_cast %reduce_max3A_152 : vector<256xf32> to vector<256x1xf32>
    %eq3A_154 = vector.broadcast %broadcast_in_dim3A_153 : vector<256x1xf32> to vector<256x2048xf32>
    %eq3A_155 = arith.cmpf oeq, %select_n3A_150, %eq3A_154 : vector<256x2048xf32>
    %jit3A_156 = arith.constant 2147483647 : i32
    %broadcast_in_dim3A_157 = vector.broadcast %jit3A_156 : i32 to vector<256x2048xi32>
    %select_n3A_158 = arith.select %eq3A_155, %concatenate3A, %broadcast_in_dim3A_157 : vector<256x2048xi1>, vector<256x2048xi32>
    %reduce_min3A_159 = arith.constant dense<2147483647> : vector<256xi32>
    %reduce_min3A_160 = vector.multi_reduction <minsi>, %select_n3A_158, %reduce_min3A_159 [1] : vector<256x2048xi32> to vector<256xi32>
    %broadcast_in_dim3A_161 = vector.shape_cast %reduce_min3A_160 : vector<256xi32> to vector<256x1xi32>
    %eq3A_162 = vector.broadcast %broadcast_in_dim3A_161 : vector<256x1xi32> to vector<256x2048xi32>
    %eq3A_163 = arith.cmpi eq, %concatenate3A, %eq3A_162 : vector<256x2048xi32>
    %jit3A_164 = arith.constant 0xFF800000 : f32
    %broadcast_in_dim3A_165 = vector.broadcast %jit3A_164 : f32 to vector<256x2048xf32>
    %select_n3A_166 = arith.select %eq3A_163, %broadcast_in_dim3A_165, %select_n3A_150 : vector<256x2048xi1>, vector<256x2048xf32>
    %reduce_max3A_167 = arith.constant dense<0xFF800000> : vector<256xf32>
    %reduce_max3A_168 = vector.multi_reduction <maximumf>, %select_n3A_166, %reduce_max3A_167 [1] : vector<256x2048xf32> to vector<256xf32>
    %broadcast_in_dim3A_169 = vector.shape_cast %reduce_max3A_168 : vector<256xf32> to vector<256x1xf32>
    %eq3A_170 = vector.broadcast %broadcast_in_dim3A_169 : vector<256x1xf32> to vector<256x2048xf32>
    %eq3A_171 = arith.cmpf oeq, %select_n3A_166, %eq3A_170 : vector<256x2048xf32>
    %jit3A_172 = arith.constant 2147483647 : i32
    %broadcast_in_dim3A_173 = vector.broadcast %jit3A_172 : i32 to vector<256x2048xi32>
    %select_n3A_174 = arith.select %eq3A_171, %concatenate3A, %broadcast_in_dim3A_173 : vector<256x2048xi1>, vector<256x2048xi32>
    %reduce_min3A_175 = arith.constant dense<2147483647> : vector<256xi32>
    %reduce_min3A_176 = vector.multi_reduction <minsi>, %select_n3A_174, %reduce_min3A_175 [1] : vector<256x2048xi32> to vector<256xi32>
    %broadcast_in_dim3A_177 = vector.shape_cast %reduce_min3A_176 : vector<256xi32> to vector<256x1xi32>
    %eq3A_178 = vector.broadcast %broadcast_in_dim3A_177 : vector<256x1xi32> to vector<256x2048xi32>
    %eq3A_179 = arith.cmpi eq, %concatenate3A, %eq3A_178 : vector<256x2048xi32>
    %jit3A_180 = arith.constant 0xFF800000 : f32
    %broadcast_in_dim3A_181 = vector.broadcast %jit3A_180 : f32 to vector<256x2048xf32>
    %select_n3A_182 = arith.select %eq3A_179, %broadcast_in_dim3A_181, %select_n3A_166 : vector<256x2048xi1>, vector<256x2048xf32>
    %reduce_max3A_183 = arith.constant dense<0xFF800000> : vector<256xf32>
    %reduce_max3A_184 = vector.multi_reduction <maximumf>, %select_n3A_182, %reduce_max3A_183 [1] : vector<256x2048xf32> to vector<256xf32>
    %broadcast_in_dim3A_185 = vector.shape_cast %reduce_max3A_184 : vector<256xf32> to vector<256x1xf32>
    %eq3A_186 = vector.broadcast %broadcast_in_dim3A_185 : vector<256x1xf32> to vector<256x2048xf32>
    %eq3A_187 = arith.cmpf oeq, %select_n3A_182, %eq3A_186 : vector<256x2048xf32>
    %jit3A_188 = arith.constant 2147483647 : i32
    %broadcast_in_dim3A_189 = vector.broadcast %jit3A_188 : i32 to vector<256x2048xi32>
    %select_n3A_190 = arith.select %eq3A_187, %concatenate3A, %broadcast_in_dim3A_189 : vector<256x2048xi1>, vector<256x2048xi32>
    %reduce_min3A_191 = arith.constant dense<2147483647> : vector<256xi32>
    %reduce_min3A_192 = vector.multi_reduction <minsi>, %select_n3A_190, %reduce_min3A_191 [1] : vector<256x2048xi32> to vector<256xi32>
    %broadcast_in_dim3A_193 = vector.shape_cast %reduce_min3A_192 : vector<256xi32> to vector<256x1xi32>
    %eq3A_194 = vector.broadcast %broadcast_in_dim3A_193 : vector<256x1xi32> to vector<256x2048xi32>
    %eq3A_195 = arith.cmpi eq, %concatenate3A, %eq3A_194 : vector<256x2048xi32>
    %jit3A_196 = arith.constant 0xFF800000 : f32
    %broadcast_in_dim3A_197 = vector.broadcast %jit3A_196 : f32 to vector<256x2048xf32>
    %select_n3A_198 = arith.select %eq3A_195, %broadcast_in_dim3A_197, %select_n3A_182 : vector<256x2048xi1>, vector<256x2048xf32>
    %reduce_max3A_199 = arith.constant dense<0xFF800000> : vector<256xf32>
    %reduce_max3A_200 = vector.multi_reduction <maximumf>, %select_n3A_198, %reduce_max3A_199 [1] : vector<256x2048xf32> to vector<256xf32>
    %broadcast_in_dim3A_201 = vector.shape_cast %reduce_max3A_200 : vector<256xf32> to vector<256x1xf32>
    %eq3A_202 = vector.broadcast %broadcast_in_dim3A_201 : vector<256x1xf32> to vector<256x2048xf32>
    %eq3A_203 = arith.cmpf oeq, %select_n3A_198, %eq3A_202 : vector<256x2048xf32>
    %jit3A_204 = arith.constant 2147483647 : i32
    %broadcast_in_dim3A_205 = vector.broadcast %jit3A_204 : i32 to vector<256x2048xi32>
    %select_n3A_206 = arith.select %eq3A_203, %concatenate3A, %broadcast_in_dim3A_205 : vector<256x2048xi1>, vector<256x2048xi32>
    %reduce_min3A_207 = arith.constant dense<2147483647> : vector<256xi32>
    %reduce_min3A_208 = vector.multi_reduction <minsi>, %select_n3A_206, %reduce_min3A_207 [1] : vector<256x2048xi32> to vector<256xi32>
    %broadcast_in_dim3A_209 = vector.shape_cast %reduce_min3A_208 : vector<256xi32> to vector<256x1xi32>
    %eq3A_210 = vector.broadcast %broadcast_in_dim3A_209 : vector<256x1xi32> to vector<256x2048xi32>
    %eq3A_211 = arith.cmpi eq, %concatenate3A, %eq3A_210 : vector<256x2048xi32>
    %jit3A_212 = arith.constant 0xFF800000 : f32
    %broadcast_in_dim3A_213 = vector.broadcast %jit3A_212 : f32 to vector<256x2048xf32>
    %select_n3A_214 = arith.select %eq3A_211, %broadcast_in_dim3A_213, %select_n3A_198 : vector<256x2048xi1>, vector<256x2048xf32>
    %reduce_max3A_215 = arith.constant dense<0xFF800000> : vector<256xf32>
    %reduce_max3A_216 = vector.multi_reduction <maximumf>, %select_n3A_214, %reduce_max3A_215 [1] : vector<256x2048xf32> to vector<256xf32>
    %broadcast_in_dim3A_217 = vector.shape_cast %reduce_max3A_216 : vector<256xf32> to vector<256x1xf32>
    %eq3A_218 = vector.broadcast %broadcast_in_dim3A_217 : vector<256x1xf32> to vector<256x2048xf32>
    %eq3A_219 = arith.cmpf oeq, %select_n3A_214, %eq3A_218 : vector<256x2048xf32>
    %jit3A_220 = arith.constant 2147483647 : i32
    %broadcast_in_dim3A_221 = vector.broadcast %jit3A_220 : i32 to vector<256x2048xi32>
    %select_n3A_222 = arith.select %eq3A_219, %concatenate3A, %broadcast_in_dim3A_221 : vector<256x2048xi1>, vector<256x2048xi32>
    %reduce_min3A_223 = arith.constant dense<2147483647> : vector<256xi32>
    %reduce_min3A_224 = vector.multi_reduction <minsi>, %select_n3A_222, %reduce_min3A_223 [1] : vector<256x2048xi32> to vector<256xi32>
    %broadcast_in_dim3A_225 = vector.shape_cast %reduce_min3A_224 : vector<256xi32> to vector<256x1xi32>
    %eq3A_226 = vector.broadcast %broadcast_in_dim3A_225 : vector<256x1xi32> to vector<256x2048xi32>
    %eq3A_227 = arith.cmpi eq, %concatenate3A, %eq3A_226 : vector<256x2048xi32>
    %jit3A_228 = arith.constant 0xFF800000 : f32
    %broadcast_in_dim3A_229 = vector.broadcast %jit3A_228 : f32 to vector<256x2048xf32>
    %select_n3A_230 = arith.select %eq3A_227, %broadcast_in_dim3A_229, %select_n3A_214 : vector<256x2048xi1>, vector<256x2048xf32>
    %reduce_max3A_231 = arith.constant dense<0xFF800000> : vector<256xf32>
    %reduce_max3A_232 = vector.multi_reduction <maximumf>, %select_n3A_230, %reduce_max3A_231 [1] : vector<256x2048xf32> to vector<256xf32>
    %broadcast_in_dim3A_233 = vector.shape_cast %reduce_max3A_232 : vector<256xf32> to vector<256x1xf32>
    %eq3A_234 = vector.broadcast %broadcast_in_dim3A_233 : vector<256x1xf32> to vector<256x2048xf32>
    %eq3A_235 = arith.cmpf oeq, %select_n3A_230, %eq3A_234 : vector<256x2048xf32>
    %jit3A_236 = arith.constant 2147483647 : i32
    %broadcast_in_dim3A_237 = vector.broadcast %jit3A_236 : i32 to vector<256x2048xi32>
    %select_n3A_238 = arith.select %eq3A_235, %concatenate3A, %broadcast_in_dim3A_237 : vector<256x2048xi1>, vector<256x2048xi32>
    %reduce_min3A_239 = arith.constant dense<2147483647> : vector<256xi32>
    %reduce_min3A_240 = vector.multi_reduction <minsi>, %select_n3A_238, %reduce_min3A_239 [1] : vector<256x2048xi32> to vector<256xi32>
    %broadcast_in_dim3A_241 = vector.shape_cast %reduce_min3A_240 : vector<256xi32> to vector<256x1xi32>
    %eq3A_242 = vector.broadcast %broadcast_in_dim3A_241 : vector<256x1xi32> to vector<256x2048xi32>
    %eq3A_243 = arith.cmpi eq, %concatenate3A, %eq3A_242 : vector<256x2048xi32>
    %jit3A_244 = arith.constant 0xFF800000 : f32
    %broadcast_in_dim3A_245 = vector.broadcast %jit3A_244 : f32 to vector<256x2048xf32>
    %select_n3A_246 = arith.select %eq3A_243, %broadcast_in_dim3A_245, %select_n3A_230 : vector<256x2048xi1>, vector<256x2048xf32>
    %reduce_max3A_247 = arith.constant dense<0xFF800000> : vector<256xf32>
    %reduce_max3A_248 = vector.multi_reduction <maximumf>, %select_n3A_246, %reduce_max3A_247 [1] : vector<256x2048xf32> to vector<256xf32>
    %broadcast_in_dim3A_249 = vector.shape_cast %reduce_max3A_248 : vector<256xf32> to vector<256x1xf32>
    %eq3A_250 = vector.broadcast %broadcast_in_dim3A_249 : vector<256x1xf32> to vector<256x2048xf32>
    %eq3A_251 = arith.cmpf oeq, %select_n3A_246, %eq3A_250 : vector<256x2048xf32>
    %jit3A_252 = arith.constant 2147483647 : i32
    %broadcast_in_dim3A_253 = vector.broadcast %jit3A_252 : i32 to vector<256x2048xi32>
    %select_n3A_254 = arith.select %eq3A_251, %concatenate3A, %broadcast_in_dim3A_253 : vector<256x2048xi1>, vector<256x2048xi32>
    %reduce_min3A_255 = arith.constant dense<2147483647> : vector<256xi32>
    %reduce_min3A_256 = vector.multi_reduction <minsi>, %select_n3A_254, %reduce_min3A_255 [1] : vector<256x2048xi32> to vector<256xi32>
    %broadcast_in_dim3A_257 = vector.shape_cast %reduce_min3A_256 : vector<256xi32> to vector<256x1xi32>
    %eq3A_258 = vector.broadcast %broadcast_in_dim3A_257 : vector<256x1xi32> to vector<256x2048xi32>
    %eq3A_259 = arith.cmpi eq, %concatenate3A, %eq3A_258 : vector<256x2048xi32>
    %jit3A_260 = arith.constant 0xFF800000 : f32
    %broadcast_in_dim3A_261 = vector.broadcast %jit3A_260 : f32 to vector<256x2048xf32>
    %select_n3A_262 = arith.select %eq3A_259, %broadcast_in_dim3A_261, %select_n3A_246 : vector<256x2048xi1>, vector<256x2048xf32>
    %reduce_max3A_263 = arith.constant dense<0xFF800000> : vector<256xf32>
    %reduce_max3A_264 = vector.multi_reduction <maximumf>, %select_n3A_262, %reduce_max3A_263 [1] : vector<256x2048xf32> to vector<256xf32>
    %broadcast_in_dim3A_265 = vector.shape_cast %reduce_max3A_264 : vector<256xf32> to vector<256x1xf32>
    %eq3A_266 = vector.broadcast %broadcast_in_dim3A_265 : vector<256x1xf32> to vector<256x2048xf32>
    %eq3A_267 = arith.cmpf oeq, %select_n3A_262, %eq3A_266 : vector<256x2048xf32>
    %jit3A_268 = arith.constant 2147483647 : i32
    %broadcast_in_dim3A_269 = vector.broadcast %jit3A_268 : i32 to vector<256x2048xi32>
    %select_n3A_270 = arith.select %eq3A_267, %concatenate3A, %broadcast_in_dim3A_269 : vector<256x2048xi1>, vector<256x2048xi32>
    %reduce_min3A_271 = arith.constant dense<2147483647> : vector<256xi32>
    %reduce_min3A_272 = vector.multi_reduction <minsi>, %select_n3A_270, %reduce_min3A_271 [1] : vector<256x2048xi32> to vector<256xi32>
    %broadcast_in_dim3A_273 = vector.shape_cast %reduce_min3A_272 : vector<256xi32> to vector<256x1xi32>
    %eq3A_274 = vector.broadcast %broadcast_in_dim3A_273 : vector<256x1xi32> to vector<256x2048xi32>
    %eq3A_275 = arith.cmpi eq, %concatenate3A, %eq3A_274 : vector<256x2048xi32>
    %jit3A_276 = arith.constant 0xFF800000 : f32
    %broadcast_in_dim3A_277 = vector.broadcast %jit3A_276 : f32 to vector<256x2048xf32>
    %select_n3A_278 = arith.select %eq3A_275, %broadcast_in_dim3A_277, %select_n3A_262 : vector<256x2048xi1>, vector<256x2048xf32>
    %reduce_max3A_279 = arith.constant dense<0xFF800000> : vector<256xf32>
    %reduce_max3A_280 = vector.multi_reduction <maximumf>, %select_n3A_278, %reduce_max3A_279 [1] : vector<256x2048xf32> to vector<256xf32>
    %broadcast_in_dim3A_281 = vector.shape_cast %reduce_max3A_280 : vector<256xf32> to vector<256x1xf32>
    %eq3A_282 = vector.broadcast %broadcast_in_dim3A_281 : vector<256x1xf32> to vector<256x2048xf32>
    %eq3A_283 = arith.cmpf oeq, %select_n3A_278, %eq3A_282 : vector<256x2048xf32>
    %jit3A_284 = arith.constant 2147483647 : i32
    %broadcast_in_dim3A_285 = vector.broadcast %jit3A_284 : i32 to vector<256x2048xi32>
    %select_n3A_286 = arith.select %eq3A_283, %concatenate3A, %broadcast_in_dim3A_285 : vector<256x2048xi1>, vector<256x2048xi32>
    %reduce_min3A_287 = arith.constant dense<2147483647> : vector<256xi32>
    %reduce_min3A_288 = vector.multi_reduction <minsi>, %select_n3A_286, %reduce_min3A_287 [1] : vector<256x2048xi32> to vector<256xi32>
    %broadcast_in_dim3A_289 = vector.shape_cast %reduce_min3A_288 : vector<256xi32> to vector<256x1xi32>
    %eq3A_290 = vector.broadcast %broadcast_in_dim3A_289 : vector<256x1xi32> to vector<256x2048xi32>
    %eq3A_291 = arith.cmpi eq, %concatenate3A, %eq3A_290 : vector<256x2048xi32>
    %jit3A_292 = arith.constant 0xFF800000 : f32
    %broadcast_in_dim3A_293 = vector.broadcast %jit3A_292 : f32 to vector<256x2048xf32>
    %select_n3A_294 = arith.select %eq3A_291, %broadcast_in_dim3A_293, %select_n3A_278 : vector<256x2048xi1>, vector<256x2048xf32>
    %reduce_max3A_295 = arith.constant dense<0xFF800000> : vector<256xf32>
    %reduce_max3A_296 = vector.multi_reduction <maximumf>, %select_n3A_294, %reduce_max3A_295 [1] : vector<256x2048xf32> to vector<256xf32>
    %broadcast_in_dim3A_297 = vector.shape_cast %reduce_max3A_296 : vector<256xf32> to vector<256x1xf32>
    %eq3A_298 = vector.broadcast %broadcast_in_dim3A_297 : vector<256x1xf32> to vector<256x2048xf32>
    %eq3A_299 = arith.cmpf oeq, %select_n3A_294, %eq3A_298 : vector<256x2048xf32>
    %jit3A_300 = arith.constant 2147483647 : i32
    %broadcast_in_dim3A_301 = vector.broadcast %jit3A_300 : i32 to vector<256x2048xi32>
    %select_n3A_302 = arith.select %eq3A_299, %concatenate3A, %broadcast_in_dim3A_301 : vector<256x2048xi1>, vector<256x2048xi32>
    %reduce_min3A_303 = arith.constant dense<2147483647> : vector<256xi32>
    %reduce_min3A_304 = vector.multi_reduction <minsi>, %select_n3A_302, %reduce_min3A_303 [1] : vector<256x2048xi32> to vector<256xi32>
    %broadcast_in_dim3A_305 = vector.shape_cast %reduce_min3A_304 : vector<256xi32> to vector<256x1xi32>
    %concatenate3A_306 = tpu.concatenate %broadcast_in_dim3A, %broadcast_in_dim3A_73, %broadcast_in_dim3A_89, %broadcast_in_dim3A_105, %broadcast_in_dim3A_121, %broadcast_in_dim3A_137, %broadcast_in_dim3A_153, %broadcast_in_dim3A_169, %broadcast_in_dim3A_185, %broadcast_in_dim3A_201, %broadcast_in_dim3A_217, %broadcast_in_dim3A_233, %broadcast_in_dim3A_249, %broadcast_in_dim3A_265, %broadcast_in_dim3A_281, %broadcast_in_dim3A_297 in 1 : vector<256x1xf32>, vector<256x1xf32>, vector<256x1xf32>, vector<256x1xf32>, vector<256x1xf32>, vector<256x1xf32>, vector<256x1xf32>, vector<256x1xf32>, vector<256x1xf32>, vector<256x1xf32>, vector<256x1xf32>, vector<256x1xf32>, vector<256x1xf32>, vector<256x1xf32>, vector<256x1xf32>, vector<256x1xf32> -> vector<256x16xf32>
    %swap3A = arith.constant 0 : index
    %swap3A_307 = arith.constant 0 : index
    %swap3A_308 = vector.load %arg3[%swap3A, %swap3A_307] : memref<256x16xf32, #tpu.memory_space<vmem>>, vector<256x16xf32>
    tpu.vector_store %arg3[%swap3A, %swap3A_307], %concatenate3A_306 {strides = array<i32>} : memref<256x16xf32, #tpu.memory_space<vmem>>, vector<256x16xf32>,
    %concatenate3A_309 = tpu.concatenate %broadcast_in_dim3A_65, %broadcast_in_dim3A_81, %broadcast_in_dim3A_97, %broadcast_in_dim3A_113, %broadcast_in_dim3A_129, %broadcast_in_dim3A_145, %broadcast_in_dim3A_161, %broadcast_in_dim3A_177, %broadcast_in_dim3A_193, %broadcast_in_dim3A_209, %broadcast_in_dim3A_225, %broadcast_in_dim3A_241, %broadcast_in_dim3A_257, %broadcast_in_dim3A_273, %broadcast_in_dim3A_289, %broadcast_in_dim3A_305 in 1 : vector<256x1xi32>, vector<256x1xi32>, vector<256x1xi32>, vector<256x1xi32>, vector<256x1xi32>, vector<256x1xi32>, vector<256x1xi32>, vector<256x1xi32>, vector<256x1xi32>, vector<256x1xi32>, vector<256x1xi32>, vector<256x1xi32>, vector<256x1xi32>, vector<256x1xi32>, vector<256x1xi32>, vector<256x1xi32> -> vector<256x16xi32>
    %swap3A_310 = arith.constant 0 : index
    %swap3A_311 = arith.constant 0 : index
    %swap3A_312 = vector.load %arg4[%swap3A_310, %swap3A_311] : memref<256x16xi32, #tpu.memory_space<vmem>>, vector<256x16xi32>
    tpu.vector_store %arg4[%swap3A_310, %swap3A_311], %concatenate3A_309 {strides = array<i32>} : memref<256x16xi32, #tpu.memory_space<vmem>>, vector<256x16xi32>,
    return
  }
  func.func @transform_0(%arg0: i32) -> (i32, i32) {
    %c0_i32 = arith.constant 0 : i32
    %c0_i32_0 = arith.constant 0 : i32
    return %arg0, %c0_i32 : i32, i32
  }
  func.func @transform_1(%arg0: i32) -> (i32, i32) {
    %c0_i32 = arith.constant 0 : i32
    %c0_i32_0 = arith.constant 0 : i32
    return %arg0, %c0_i32 : i32, i32
  }
  func.func @transform_2(%arg0: i32) -> (i32, i32) {
    %c0_i32 = arith.constant 0 : i32
    %c0_i32_0 = arith.constant 0 : i32
    return %arg0, %c0_i32 : i32, i32
  }
  func.func @transform_3(%arg0: i32) -> (i32, i32) {
    %c0_i32 = arith.constant 0 : i32
    %c0_i32_0 = arith.constant 0 : i32
    return %arg0, %c0_i32 : i32, i32
  }
}

</mosaic_0001>

<sc_bundles>
// kernel: kernel.5.cloned.1.call-start
scs
__scs_entry_jumppad:
0x0: {  	(pc) =	sbr.rel $0x88, $3  }
0x1: {  	(tag) =	ssettag $0x0;
	lr =	simm.s32 $0x1  }
0x2: {  	[smem:$0x3F9F] =	sst lr;
	_ =	strace $0xD0000000  }
0x3: {  	_ = 	snop  }
0x4: {  	_ = 	snop  }
0x5: {  	_ = 	snop  }
0x6: {  	_ = 	snop  }
0x7: {  	_ = 	snop  }
__scs_overlays_trampoline_lowered:
0x8: {  	[smem:$0x3FAE] =	sst s0  }
0x9: {  	[smem:$0x3FAF] =	sst s1  }
0xa: {  	[smem:$0x3FB0] =	sst s2  }
0xb: {  	[smem:$0x3FB1] =	sst s3  }
0xc: {  	[smem:$0x3FB2] =	sst s4  }
0xd: {  	[smem:$0x3FB3] =	sst s5  }
0xe: {  	[smem:$0x3FB4] =	sst s6  }
0xf: {  	[smem:$0x3FB5] =	sst s7  }
0x10: {  	[smem:$0x3FB6] =	sst s8  }
0x11: {  	[smem:$0x3FB7] =	sst s9;
	s0 =	simm.s32 @!p0 $0x0  }
0x12: {  	s1 =	sld [smem:$0x3F9D];
	s0 =	simm.s32 @p0 $0x1  }
0x13: {  	[smem:$0x3FB8] =	sst s0;
	s0 =	simm.s32 @!p1 $0x0  }
0x14: {  	s2 =	sld [smem:$0x3F9C];
	s0 =	simm.s32 @p1 $0x1  }
0x15: {  	[smem:$0x3FB9] =	sst s0;
	s0 =	simm.s32 @!p2 $0x0  }
0x16: {  	s3 =	sld [smem:$0x3FDB];
	s0 =	simm.s32 @p2 $0x1  }
0x17: {  	s4 =	simm.s32 $0x1BF5;
	[smem:$0x3FBB] =	sst s0  }
0x18: {  	s0 =	sld [smem:$0x3F9E];
	_ =	swait.ge [sflag:s4], $0x0  }
0x19: {  	s7 =	sld [smem:$0x3F9F]  }
0x1a: {  	s8 =	sadd.s32 $0xFFFFE003, lr  }
0x1b: {  	s9 =	sadd.s32 $0xFFFFFEF7, lr;
	s5 =	simm.s32 $0xFFFFFFFF;
	p2 =	slt.u32 s8, $0xFFFFF086  }
0x1c: {  	p1 =	slt.u32 s9, $0xF7A;
	s5 =	simm.s32 @!p2 $0x0  }
0x1d: {  	s5 =	simm.s32 @p1 $0x1;
	p0 =	seq.s32 s7, s2  }
0x1e: {  	s7 =	smul.u32 @!p0 $0xF7A, s2;
	p2 =	seq.s32 @!p0 s5, $0x0  }
0x1f: {  	s9 =	smul.u32 $0xF7A, s1;
	s8 =	simm.s32 @!p0 $0x1BF5;
	p2 =	por !p2, p0  }
0x20: {  	[sflag:s8] =	ssyncset.s32 @!p0 $0xFFFFF086;
	s6 =	sadd.s32 @!p0 s3, s7;
	s7 =	simm.s32 @!p0 $0x108  }
0x21: {  	s3 =	sadd.s32 s3, s9;
	s6 =	sadd.s32 @!p0 $0x88, s6;
	s7 =	simm.s32 @p2 $0x1082  }
0x22: {  	[simem:s7], [sflag:s8] =	dma.local @!p0 [hbm:s6], $0xF7A  }
0x23: {  	s9 =	sor.u32 $0xD0000000, s2;
	s6 =	simm.s32 $0x108;
	_ =	swait.ge @!p0 [sflag:s8], $0x0  }
0x24: {  	s3 =	sadd.s32 $0x88, s3;
	s6 =	simm.s32 @!p1 $0x1082;
	[sflag:s4] =	ssyncset.s32 $0xFFFFF086  }
0x25: {  	[simem:s6], [sflag:s4] =	dma.local [hbm:s3], $0xF7A  }
0x26: {  	[smem:$0x3F9F] =	sst s1;
	(tag) =	ssettag s2;
	_ =	strace s9  }
0x27: {  	s1 =	sld [smem:$0x3FAF]  }
0x28: {  	s2 =	sld [smem:$0x3FB0]  }
0x29: {  	s4 =	sld [smem:$0x3FB2]  }
0x2a: {  	p0 =	seq.s32 s5, $0x0;
	s5 =	sld [smem:$0x3FB3]  }
0x2b: {  	s6 =	sld [smem:$0x3FB4]  }
0x2c: {  	s7 =	sld [smem:$0x3FB5]  }
0x2d: {  	s3 =	simm.s32 $0x108;
	s8 =	sld [smem:$0x3FB6]  }
0x2e: {  	s3 =	simm.s32 @!p0 $0x1082;
	s9 =	sld [smem:$0x3FB7]  }
0x2f: {  	lr =	sadd.s32 s0, s3;
	s0 =	sld [smem:$0x3FAE]  }
0x30: {  	s3 =	sld [smem:$0x3FB1]  }
0x31: {  	[smem:$0x3FBA] =	sst s10  }
0x32: {  	s10 =	sld [smem:$0x3FB8];
	_ =	sdelay $0x3  }
0x33: {  	p0 =	seq.s32 s10, $0x1;
	s10 =	sld [smem:$0x3FBA];
	_ =	sdelay $0x3  }
0x34: {  	[smem:$0x3FBA] =	sst s10  }
0x35: {  	s10 =	sld [smem:$0x3FB9];
	_ =	sdelay $0x3  }
0x36: {  	p1 =	seq.s32 s10, $0x1;
	s10 =	sld [smem:$0x3FBA];
	_ =	sdelay $0x3  }
0x37: {  	[smem:$0x3FBA] =	sst s10  }
0x38: {  	s10 =	sld [smem:$0x3FBB]  }
0x39: {  	_ = 	snop;
	(pc) =	sbr.ind lr, $3  }
0x3a: {  	_ = 	snop  }
0x3b: {  	_ = 	snop  }
0x3c: {  	p2 =	seq.s32 s10, $0x1;
	s10 =	sld [smem:$0x3FBA]  }
0x3d: {  	_ =	shalt  }
0x3e: {  	_ =	shalt  }
0x3f: {  	_ =	shalt  }
0x40: {  	_ =	shalt  }
0x41: {  	_ =	shalt  }
0x42: {  	_ =	shalt  }
0x43: {  	_ =	shalt  }
0x44: {  	_ =	shalt  }
0x45: {  	_ =	shalt  }
0x46: {  	_ =	shalt  }
0x47: {  	_ =	shalt  }
0x48: {  	_ =	shalt  }
0x49: {  	_ =	shalt  }
0x4a: {  	_ =	shalt  }
0x4b: {  	_ =	shalt  }
0x4c: {  	_ =	shalt  }
0x4d: {  	_ =	shalt  }
0x4e: {  	_ =	shalt  }
0x4f: {  	_ =	shalt  }
0x50: {  	_ =	shalt  }
0x51: {  	_ =	shalt  }
0x52: {  	_ =	shalt  }
0x53: {  	_ =	shalt  }
0x54: {  	_ =	shalt  }
0x55: {  	_ =	shalt  }
0x56: {  	_ =	shalt  }
0x57: {  	_ =	shalt  }
0x58: {  	_ =	shalt  }
0x59: {  	_ =	shalt  }
0x5a: {  	_ =	shalt  }
0x5b: {  	_ =	shalt  }
0x5c: {  	_ =	shalt  }
0x5d: {  	_ =	shalt  }
0x5e: {  	_ =	shalt  }
0x5f: {  	_ =	shalt  }
0x60: {  	_ =	shalt  }
0x61: {  	_ =	shalt  }
0x62: {  	_ =	shalt  }
0x63: {  	_ =	shalt  }
0x64: {  	_ =	shalt  }
0x65: {  	_ =	shalt  }
0x66: {  	_ =	shalt  }
0x67: {  	_ =	shalt  }
0x68: {  	_ =	shalt  }
0x69: {  	_ =	shalt  }
0x6a: {  	_ =	shalt  }
0x6b: {  	_ =	shalt  }
0x6c: {  	_ =	shalt  }
0x6d: {  	_ =	shalt  }
0x6e: {  	_ =	shalt  }
0x6f: {  	_ =	shalt  }
0x70: {  	_ =	shalt  }
0x71: {  	_ =	shalt  }
0x72: {  	_ =	shalt  }
0x73: {  	_ =	shalt  }
0x74: {  	_ =	shalt  }
0x75: {  	_ =	shalt  }
0x76: {  	_ =	shalt  }
0x77: {  	_ =	shalt  }
0x78: {  	_ =	shalt  }
0x79: {  	_ =	shalt  }
0x7a: {  	_ =	shalt  }
0x7b: {  	_ =	shalt  }
0x7c: {  	_ =	shalt  }
0x7d: {  	_ =	shalt  }
0x7e: {  	_ =	shalt  }
0x7f: {  	_ =	shalt  }
0x80: {  	_ =	shalt  }
0x81: {  	_ =	shalt  }
0x82: {  	_ =	shalt  }
0x83: {  	_ =	shalt  }
0x84: {  	_ =	shalt  }
0x85: {  	_ =	shalt  }
0x86: {  	_ =	shalt  }
0x87: {  	_ =	shalt  }
.Lfunc_end0:
.L_simem_size_0:
called_computation_lowered:
.L_overlay_start_0:
0x88: {  	s2 =	sld [smem:$0x3FD9]  }
0x89: {  	s3 =	sld [smem:$0x3FFE];
	_ =	sdelay $0x1  }
0x8a: {  	s1 =	srdreg.scid  }
0x8b: {  	s0 =	sand.u32 $0x1, s1  }
0x8c: {  	s14 =	sshll.u32 s0, $0xA;
	s2 =	sadd.s32 s3, s2  }
0x8d: {  	s2 =	sadd.s32 s2, s14  }
0x8e: {  	[smem:$0x3FC6] =	sst s2  }
0x8f: {  	_ = 	snop  }
0x90: {  	s2 =	sld [smem:$0x3FD0];
	_ =	sdelay $0x2  }
0x91: {  	s15 =	simm.s32 $0xA;
	s4 =	simm.s32 $0x10  }
0x92: {  	[smem:s4], [sflag:s15] =	dma.local [hbm:s2], $0x1  }
0x93: {  	_ =	swait.eq [sflag:s15], $0x1  }
0x94: {  	[sflag:s15] =	ssyncset.done $0x0  }
0x95: {  	[sflag:s15] =	ssyncadd.s32 $0xFFFFFFFF  }
0x96: {  	s16 =	sld [smem:$0x11];
	(tm) =	ssettm $0x1  }
0x97: {  	s17 =	sld [smem:$0x3FFB];
	_ =	sdelay $0x3  }
0x98: {  	_ =	strace s17  }
0x99: {  	s3 =	sld [smem:$0x3FFC];
	_ =	sdelay $0x3  }
0x9a: {  	_ =	strace s3  }
0x9b: {  	s3 =	sld [smem:$0x3FFD];
	_ =	sdelay $0x3  }
0x9c: {  	_ =	strace s3  }
0x9d: {  	_ =	strace $0x8FFFFFFF  }
0x9e: {  	s18 =	sld [smem:$0x3FDB];
	_ =	sdelay $0x1  }
0x9f: {  	s19 =	simm.s32 $_scs_section_size  }
0xa0: {  	s5 =	simm.s32 $_size__tile_overlayer_lowered;
	s6 =	simm.s32 $_tile_overlayer_lowered  }
0xa1: {  	s22 =	simm.s32 $0x1BFF;
	s21 =	sshll.u32 s6, $0x1;
	s3 =	sadd.s32 s19, s18  }
0xa2: {  	s7 =	simm.s32 $0x0;
	s20 =	sshll.u32 s5, $0x1;
	s5 =	sadd.s32 s21, s3  }
0xa3: {  	[timem:s7], [sflag:s22] =	dma.local [hbm:s5], s20  }
0xa4: {  	_ =	swait.ge [sflag:s22], s20  }
0xa5: {  	s4 =	ssub.s32 $0x0, s20;
	[sflag:s22] =	ssyncset.done $0x0  }
0xa6: {  	[sflag:s22] =	ssyncadd.s32 s4;
	_ =	sdelay $0x1  }
0xa7: {  	s23 =	simm.s32 $0x1B8B  }
0xa8: {  	_ =	swait.ge [sflag:s23], $0x1  }
0xa9: {  	[sflag:s23] =	ssyncset.done $0x0  }
0xaa: {  	s25 =	simm.s32 $0x1B8E;
	s24 =	sld [smem:$0x3FFE];
	[sflag:s23] =	ssyncadd.s32 $0xFFFFFFFF  }
0xab: {  	s26 =	simm.s32 $execute0_lowered;
	[smem:$0x3FD2] =	sst s25  }
0xac: {  	s5 =	sshll.u32 s26, $0x1;
	_ =	strace $0x80000046;
	[dreg:$0x1] =	wrdreg $0xFFFFFFFF  }
0xad: {  	s28 =	simm.s32 $_size_execute0_lowered;
	s3 =	sadd.s32 s3, s5;
	[dreg:$0x0] =	wrdreg $0x0  }
0xae: {  	s5 =	sshll.u32 s28, $0x1;
	[dreg:$0x2] =	wrdreg s3  }
0xaf: {  	[dreg:$0x3] =	wrdreg s5  }
0xb0: {  	[dreg:$0x4] =	wrdreg $0xC0  }
0xb1: {  	_ =	task [dreg:s7], $0x5FFFF  }
0xb2: {  	[dreg:$0x1] =	wrdreg $0xFFFFFFFF  }
0xb3: {  	[dreg:$0x0] =	wrdreg $0x60  }
0xb4: {  	[dreg:$0x2] =	wrdreg s24  }
0xb5: {  	[dreg:$0x3] =	wrdreg s16  }
0xb6: {  	[dreg:$0x4] =	wrdreg $0x9  }
0xb7: {  	_ =	task.clear_ibuf [dreg:s7], $0x5FFFF;
	_ =	strace $0x90000046  }
0xb8: {  	s29 =	simm.s32 $0x9;
	_ =	strace $0x80000048  }
0xb9: {  	_ =	swait.ge [sflag:s29], $0x1  }
0xba: {  	[sflag:s29] =	ssyncadd.s32 $0xFFFFFFFF  }
0xbb: {  	_ =	strace $0x90000048  }
0xbc: {  	_ =	sfence  }
0xbd: {  	s30 =	sld [smem:$0x0];
	_ =	sdelay $0x2  }
0xbe: {  	s31 =	sshll.u32 s1, $0xD;
	s1 =	sshrl.u32 s1, $0x2  }
0xbf: {  	s3 =	sand.u32 $0x4000, s31;
	s1 =	sadd.s32 s1, s30  }
0xc0: {  	s0 =	sor.u32 s3, s0;
	s1 =	sshll.u32 s1, $0x11  }
0xc1: {  	s0 =	sor.u32 s1, s0  }
0xc2: {  	s0 =	sadd.s32 $0x8F2B, s0  }
0xc3: {  	[sflag:s0] =	ssyncadd.remote.s32 $0x1  }
0xc4: {  	_ =	sfence.sel $0xFFFF  }
0xc5: {  	[dreg:$0x0] =	wrdreg $0xFFFFFFFF;
	(pc) =	sbr.abs _section_cstart, $3  }
0xc6: {  	[dreg:$0x1] =	wrdreg $0xFFFFFFFF  }
0xc7: {  	_ =	task.clear_ibuf [dreg:s7], $0x2FFFF;
	_ =	strace $0x9FFFFFFF  }
0xc8: {  	(tm) =	ssettm $0x7FFFFFFF  }
0xc9: {  	_ =	shalt  }
tec
execute0_lowered:
.L_overlay_start_1:
0x0: {  	(tag) =	ssettag $0x1  }
0x1: {  	s14 =	rddreg [dreg:$0x0]  }
0x2: {  	s3 =	rddreg [dreg:$0x1];
	s1 =	srdreg.scid  }
0x3: {  	s0 =	rddreg [dreg:$0x2];
	s15 =	sand.u32 $0x1, s1  }
0x4: {  	s2 =	simm.s32 $0x0;
	s1 =	stileid.u32;
	s4 =	sshll.u32 s15, $0x6  }
0x5: {  	[smem:$0x7FF] =	sst s2;
	s5 =	sshll.u32 s1, $0x7;
	s3 =	sadd.s32 s3, s4  }
0x6: {  	_ =	strace $0x80000047;
	s4 =	sadd.s32 s5, s3;
	s3 =	simm.s32 $0x2  }
0x7: {  	[tilespmem:s2], [sflag:$0x2] =	stream.linear.gather [hbm4b:s4+s2], $0x200, $0x38;
	[tilespmem:$0x10200] =	vst v63  }
0x8: {  	_ =	swait.ge [sflag:s3], $0x200  }
0x9: {  	s6 =	simm.s32 $0x80;
	[sflag:s3] =	ssyncset.done $0x0  }
0xa: {  	s7 =	simm.s32 $0x200;
	s5 =	sadd.s32 $0x400, s14;
	[sflag:s3] =	ssyncadd.s32 $0xFFFFFE00  }
0xb: {  	[tilespmem:s7], [sflag:$0x1] =	stream.indirect.gather [hbm4b:s5+s6], $0x80, s2, s6, $0xb8;
	[tilespmem:$0x10200] =	vst v63  }
0xc: {  	s8 =	simm.s32 $0x4200  }
0xd: {  	[tilespmem:s8], [sflag:$0x1] =	stream.indirect.gather [hbm4b:s5+s6], $0x80, s6, s6, $0xb8;
	[tilespmem:$0x10200] =	vst v63  }
0xe: {  	s9 =	simm.s32 $0x100;
	s10 =	simm.s32 $0x8200  }
0xf: {  	[tilespmem:s10], [sflag:$0x1] =	stream.indirect.gather [hbm4b:s5+s6], $0x80, s9, s6, $0xb8;
	[tilespmem:$0x10200] =	vst v63  }
0x10: {  	s11 =	simm.s32 $0x180;
	s12 =	simm.s32 $0xC200;
	s13 =	simm.s32 $0x1  }
0x11: {  	[tilespmem:s12], [sflag:$0x1] =	stream.indirect.gather [hbm4b:s5+s6], $0x80, s11, s6, $0xb8;
	[tilespmem:$0x10200] =	vst v63  }
0x12: {  	_ =	swait.ge [sflag:s13], $0x4000  }
0x13: {  	[sflag:s13] =	ssyncset.done $0x0  }
0x14: {  	[sflag:s13] =	ssyncadd.s32 $0xFFFFC000  }
0x15: {  	_ =	swait.ge [sflag:s13], $0x4000  }
0x16: {  	[sflag:s13] =	ssyncset.done $0x0  }
0x17: {  	s16 =	sshll.u32 s15, $0xD;
	s15 =	ssub.s32 $0x2, s15;
	[sflag:s13] =	ssyncadd.s32 $0xFFFFC000  }
0x18: {  	s31 =	sshrl.u32 s15, $0x1;
	_ =	swait.ge [sflag:s13], $0x4000  }
0x19: {  	s15 =	ssub.s32 s15, s31;
	[sflag:s13] =	ssyncset.done $0x0  }
0x1a: {  	s17 =	sshll.u32 s1, $0xE;
	s15 =	smax.u32 s15, $0x1;
	[sflag:s13] =	ssyncadd.s32 $0xFFFFC000  }
0x1b: {  	s14 =	sadd.s32 s16, s14;
	p0 =	sne.s32 s15, $0x1;
	_ =	swait.ge [sflag:s13], $0x4000  }
.Ltmp0:
0x1c: {  	s14 =	sadd.s32 s17, s14;
	[sflag:s13] =	ssyncset.done $0x0;
	(pc) =	sbr.rel @!p0 .LBB2_2-.Ltmp0, $4  }
0x1d: {  	s14 =	sadd.s32 $0x4400, s14;
	[sflag:s13] =	ssyncadd.s32 $0xFFFFC000  }
0x1e: {  	[hbm4b:s14+s2] =	stream.linear.scatter [tilespmem:s7], [sflag:$0x2], $0x10000, $0x38;
	[tilespmem:$0x10200] =	vst v63  }
0x1f: {  	_ =	swait.ge [sflag:s3], $0x10000  }
0x20: {  	s15 =	sadd.s32 $0xFFFFFFFF, s15;
	[sflag:s3] =	ssyncset.done $0x0  }
.LBB2_1:
0x21: {  	p0 =	sne.s32 s15, $0x1;
	s15 =	sadd.s32 $0xFFFFFFFF, s15;
	[sflag:s3] =	ssyncadd.s32 $0xFFFF0000  }
0x22: {  	[tilespmem:s2], [sflag:$0x2] =	stream.linear.gather [hbm4b:s4+s2], $0x200, $0x38;
	[tilespmem:$0x10200] =	vst v63  }
0x23: {  	_ =	swait.ge [sflag:s3], $0x200  }
0x24: {  	[sflag:s3] =	ssyncset.done $0x0  }
0x25: {  	[sflag:s3] =	ssyncadd.s32 $0xFFFFFE00  }
0x26: {  	[tilespmem:s7], [sflag:$0x1] =	stream.indirect.gather [hbm4b:s5+s6], $0x80, s2, s6, $0xb8;
	[tilespmem:$0x10200] =	vst v63  }
0x27: {  	_ = 	snop  }
0x28: {  	[tilespmem:s8], [sflag:$0x1] =	stream.indirect.gather [hbm4b:s5+s6], $0x80, s6, s6, $0xb8;
	[tilespmem:$0x10200] =	vst v63  }
0x29: {  	_ = 	snop  }
0x2a: {  	[tilespmem:s10], [sflag:$0x1] =	stream.indirect.gather [hbm4b:s5+s6], $0x80, s9, s6, $0xb8;
	[tilespmem:$0x10200] =	vst v63  }
0x2b: {  	_ = 	snop  }
0x2c: {  	[tilespmem:s12], [sflag:$0x1] =	stream.indirect.gather [hbm4b:s5+s6], $0x80, s11, s6, $0xb8;
	[tilespmem:$0x10200] =	vst v63  }
0x2d: {  	_ =	swait.ge [sflag:s13], $0x4000  }
0x2e: {  	[sflag:s13] =	ssyncset.done $0x0  }
0x2f: {  	[sflag:s13] =	ssyncadd.s32 $0xFFFFC000  }
0x30: {  	_ =	swait.ge [sflag:s13], $0x4000  }
0x31: {  	[sflag:s13] =	ssyncset.done $0x0  }
0x32: {  	[sflag:s13] =	ssyncadd.s32 $0xFFFFC000  }
0x33: {  	_ =	swait.ge [sflag:s13], $0x4000  }
0x34: {  	[sflag:s13] =	ssyncset.done $0x0  }
0x35: {  	[sflag:s13] =	ssyncadd.s32 $0xFFFFC000  }
0x36: {  	_ =	swait.ge [sflag:s13], $0x4000  }
.Ltmp1:
0x37: {  	[sflag:s13] =	ssyncset.done $0x0;
	(pc) =	sbr.rel @p0 .LBB2_1-.Ltmp1, $4  }
0x38: {  	[sflag:s13] =	ssyncadd.s32 $0xFFFFC000  }
0x39: {  	[hbm4b:s14+s2] =	stream.linear.scatter [tilespmem:s7], [sflag:$0x2], $0x10000, $0x38;
	[tilespmem:$0x10200] =	vst v63  }
0x3a: {  	_ =	swait.ge [sflag:s3], $0x10000  }
0x3b: {  	[sflag:s3] =	ssyncset.done $0x0  }
.LBB2_2:
0x3c: {  	[sflag:s3] =	ssyncadd.s32 $0xFFFF0000  }
0x3d: {  	_ =	sfence.sel $0x180000  }
0x3e: {  	[bflag:$0x0] =	sbarrier.arrive $0xFFFF  }
0x3f: {  	p0 =	sne.s32 s1, $0x0;
	_ =	strace $0x90000047  }
0x40: {  	s0 =	sadd.s32 @!p0 $0x100000, s0;
	[bflag:$0x2] =	sbarrier.arrive $0xFFFF  }
0x41: {  	[sflag:s0] =	ssyncadd.tile.s32 @!p0 $0x1;
	_ =	shalt  }
.Lfunc_end2:
_tile_overlayer_lowered:
.L_overlay_start_2:
0x42: {  	(tag) =	ssettag $0x2  }
0x43: {  	s0 =	rddreg [dreg:$0x0];
	s2 =	stileid.u32  }
0x44: {  	s1 =	rddreg [dreg:$0x1];
	p0 =	sne.s32 s2, $0x0  }
0x45: {  	s3 =	rddreg [dreg:$0x2];
	[bflag:$0x3] =	sbarrier.arrive $0xFFFF;
	s2 =	simm.s32 @!p0 $0x1C02  }
0x46: {  	[timem:s3], [sflag:s2] =	dma.local @!p0 [hbm:s0], s1  }
0x47: {  	s0 =	simm.s32 @!p0 $0x2  }
0x48: {  	_ =	swait.ge @!p0 [sflag:s0], s1  }
0x49: {  	s1 =	ssub.s32 @!p0 $0x0, s1;
	[sflag:s0] =	ssyncset.done @!p0 $0x0  }
0x4a: {  	[sflag:s0] =	ssyncadd.s32 @!p0 s1  }
0x4b: {  	[bflag:$0x3] =	sbarrier.arrive $0xFFFF  }
0x4c: {  	_ =	shalt  }

</sc_bundles>
